<compile_context>
chip_gen: v7x
topology: tpu7x:2x2x1
jax: 0.10.2.dev20260603
libtpu: 0.0.44.dev20260713+nightly
codegen_flags: <defaults>
</compile_context>

<pallas_src>
import functools

import jax
import jax.numpy as jnp
from jax import lax
from jax.experimental import pallas as pl
from jax.experimental.pallas import tpu as pltpu
from jax.experimental.pallas import tpu_sc as plsc

N_NODES = 10000
N_EDGES = 320000
IN_DIM = 128
OUT_DIM = 126
DEG_COL = 126

NUM_SC = 2
NUM_TILES = 16
NUM_WORKERS = NUM_SC * NUM_TILES
EDGES_PER_W = N_EDGES // NUM_WORKERS
CHUNK = 80
N_CHUNKS = EDGES_PER_W // CHUNK
N_PAD = 10240
ROWS_PER_TILE = N_PAD // NUM_TILES


def _fill_row_ids(zidx_v, base):
    for i in range(CHUNK // 16):
        zidx_v[pl.ds(i * 16, 16)] = lax.iota(jnp.int32, 16) + (base + i * 16)


def _sc_body(y_hbm, src_hbm, dst_hbm, sums_out,
             src0, dst0, src1, dst1, rows0, rows1, zidx_v, acc_sh,
             sem_g0, sem_g1, sem_i0, sem_i1):
    c = lax.axis_index("c")
    s = lax.axis_index("s")
    wid = c * NUM_TILES + s
    row0 = s * ROWS_PER_TILE
    ebase = wid * EDGES_PER_W

    def fill_zero(i, carry):
        for j in range(IN_DIM // 16):
            rows0[i, pl.ds(j * 16, 16)] = jnp.zeros((16,), jnp.float32)
        return carry
    lax.fori_loop(0, CHUNK, fill_zero, 0)

    nz = ROWS_PER_TILE // CHUNK
    for j in range(nz):
        zb = zidx_v if j % 2 == 0 else src1
        if j >= 2:
            pltpu.make_async_copy(rows0, acc_sh.at[zb], sem_i0).wait()
        _fill_row_ids(zb, row0 + j * CHUNK)
        pltpu.async_copy(rows0, acc_sh.at[zb], sem_i0)
    for j in range(min(nz, 2)):
        pltpu.make_async_copy(rows0, acc_sh.at[zidx_v], sem_i0).wait()
    plsc.subcore_barrier()

    def idx_wait(sv, dv, sem):
        pltpu.make_async_copy(src_hbm.at[pl.ds(0, CHUNK)], sv, sem).wait()
        pltpu.make_async_copy(dst_hbm.at[pl.ds(0, CHUNK)], dv, sem).wait()

    def idx_prefetch(i, sv, dv, sem):
        b = jnp.minimum(ebase + i * CHUNK, N_EDGES - CHUNK)
        pltpu.async_copy(src_hbm.at[pl.ds(b, CHUNK)], sv, sem)
        pltpu.async_copy(dst_hbm.at[pl.ds(b, CHUNK)], dv, sem)

    pltpu.sync_copy(src_hbm.at[pl.ds(ebase, CHUNK)], src0)
    pltpu.sync_copy(dst_hbm.at[pl.ds(ebase, CHUNK)], dst0)
    idx_prefetch(1, src1, dst1, sem_i1)
    pltpu.async_copy(y_hbm.at[src0], rows0, sem_g0)

    def step(i, carry):
        @pl.when(i % 2 == 0)
        def _():
            idx_wait(src1, dst1, sem_i1)
            pltpu.async_copy(y_hbm.at[src1], rows1, sem_g1)
            pltpu.make_async_copy(y_hbm.at[src0], rows0, sem_g0).wait()
            pltpu.sync_copy(rows0, acc_sh.at[dst0], add=True)
            idx_prefetch(i + 2, src0, dst0, sem_i0)

        @pl.when(i % 2 == 1)
        def _():
            idx_wait(src0, dst0, sem_i0)
            pltpu.async_copy(y_hbm.at[src0], rows0, sem_g0)
            pltpu.make_async_copy(y_hbm.at[src1], rows1, sem_g1).wait()
            pltpu.sync_copy(rows1, acc_sh.at[dst1], add=True)
            idx_prefetch(i + 2, src1, dst1, sem_i1)
        return carry
    lax.fori_loop(0, N_CHUNKS - 1, step, 0)

    pltpu.make_async_copy(y_hbm.at[src0], rows0, sem_g0).wait()
    pltpu.sync_copy(rows0, acc_sh.at[dst0], add=True)
    idx_wait(src1, dst1, sem_i1)

    plsc.subcore_barrier()

    np_ = ROWS_PER_TILE // CHUNK

    def _bufs(j):
        if j % 2 == 0:
            return zidx_v, rows0, sem_g0, sem_i0
        return src1, rows1, sem_g1, sem_i1

    for j in range(np_ + 1):
        if j < np_:
            zb, rb, sg, si = _bufs(j)
            if j >= 2:
                pltpu.make_async_copy(
                    rb, sums_out.at[c, pl.ds(row0 + (j - 2) * CHUNK, CHUNK), :],
                    si).wait()
            _fill_row_ids(zb, row0 + j * CHUNK)
            pltpu.async_copy(acc_sh.at[zb], rb, sg)
        if j >= 1:
            zb, rb, sg, si = _bufs(j - 1)
            pltpu.make_async_copy(acc_sh.at[zb], rb, sg).wait()
            pltpu.async_copy(
                rb, sums_out.at[c, pl.ds(row0 + (j - 1) * CHUNK, CHUNK), :], si)
    for jp in (np_ - 2, np_ - 1):
        zb, rb, sg, si = _bufs(jp)
        pltpu.make_async_copy(
            rb, sums_out.at[c, pl.ds(row0 + jp * CHUNK, CHUNK), :], si).wait()


_sc_aggregate = functools.partial(
    pl.kernel,
    out_type=jax.ShapeDtypeStruct((NUM_SC, N_PAD, IN_DIM), jnp.float32),
    mesh=plsc.VectorSubcoreMesh(core_axis_name="c", subcore_axis_name="s"),
    scratch_types=[
        pltpu.VMEM((CHUNK,), jnp.int32),
        pltpu.VMEM((CHUNK,), jnp.int32),
        pltpu.VMEM((CHUNK,), jnp.int32),
        pltpu.VMEM((CHUNK,), jnp.int32),
        pltpu.VMEM((CHUNK, IN_DIM), jnp.float32),
        pltpu.VMEM((CHUNK, IN_DIM), jnp.float32),
        pltpu.VMEM((CHUNK,), jnp.int32),
        pltpu.VMEM_SHARED((N_PAD, IN_DIM), jnp.float32),
        pltpu.SemaphoreType.DMA,
        pltpu.SemaphoreType.DMA,
        pltpu.SemaphoreType.DMA,
        pltpu.SemaphoreType.DMA,
    ],
)(_sc_body)


def _tc_proj_body(x_ref, wlp_ref, e_ref, o_ref):
    o_ref[...] = (jnp.dot(x_ref[...], wlp_ref[...],
                          preferred_element_type=jnp.float32,
                          precision=lax.Precision.HIGHEST)
                  + e_ref[...])


def _tc_out_body(parts_ref, x_ref, wr_ref, bl_ref, o_ref):
    a = parts_ref[0] + parts_ref[1]
    deg = jnp.maximum(a[:, DEG_COL:DEG_COL + 1], 1.0)
    mean_l = a[:, :OUT_DIM] / deg
    o = (mean_l
         + jnp.dot(x_ref[...], wr_ref[...], preferred_element_type=jnp.float32,
                   precision=lax.Precision.HIGHEST)
         + bl_ref[...])
    o_ref[...] = jnp.maximum(o, 0.0)


_TC_ROWS = 1000


def _tc_project(x, W_lp, e):
    return pl.pallas_call(
        _tc_proj_body,
        grid=(N_NODES // _TC_ROWS,),
        in_specs=[
            pl.BlockSpec((_TC_ROWS, IN_DIM), lambda i: (i, 0)),
            pl.BlockSpec((IN_DIM, IN_DIM), lambda i: (0, 0)),
            pl.BlockSpec((1, IN_DIM), lambda i: (0, 0)),
        ],
        out_specs=pl.BlockSpec((_TC_ROWS, IN_DIM), lambda i: (i, 0)),
        out_shape=jax.ShapeDtypeStruct((N_NODES, IN_DIM), jnp.float32),
    )(x, W_lp, e)


def _tc_combine(parts, x, W_r, b_l2):
    return pl.pallas_call(
        _tc_out_body,
        grid=(N_NODES // _TC_ROWS,),
        in_specs=[
            pl.BlockSpec((NUM_SC, _TC_ROWS, IN_DIM), lambda i: (0, i, 0)),
            pl.BlockSpec((_TC_ROWS, IN_DIM), lambda i: (i, 0)),
            pl.BlockSpec((IN_DIM, OUT_DIM), lambda i: (0, 0)),
            pl.BlockSpec((1, OUT_DIM), lambda i: (0, 0)),
        ],
        out_specs=pl.BlockSpec((_TC_ROWS, OUT_DIM), lambda i: (i, 0)),
        out_shape=jax.ShapeDtypeStruct((N_NODES, OUT_DIM), jnp.float32),
    )(parts, x, W_r, b_l2)


def kernel(x, edge_index, W_l, b_l, W_r):
    src = edge_index[0].astype(jnp.int32)
    dst = edge_index[1].astype(jnp.int32)
    W_lp = jnp.pad(W_l, ((0, 0), (0, IN_DIM - OUT_DIM)))
    e = jnp.zeros((1, IN_DIM), jnp.float32).at[0, DEG_COL].set(1.0)
    y = _tc_project(x, W_lp, e)
    parts = _sc_aggregate(y, src, dst)
    return _tc_combine(parts, x, W_r, b_l.reshape(1, OUT_DIM))

# --- scband reference (transcript-rebuilt; emitter-appended) ---
"""Pipeline reference for scband-stripped-sage-gnn-8160437862404 (READ-ONLY COPY).

The authoritative reference and input builder live on the scoring server;
editing this copy changes nothing except your own understanding.
"""

import jax, jax.numpy as jnp
import numpy as np

N_NODES = 10000
N_EDGES = 320000
IN_DIM = 128   # hidden_dim + 2
OUT_DIM = 126  # hidden_dim


def setup_inputs(seed: int = 0) -> dict:
    key = jax.random.key(seed)
    k_x, k_ei, k_wl, k_bl, k_wr = jax.random.split(key, 5)
    x = jax.random.normal(k_x, (N_NODES, IN_DIM), dtype=jnp.float32)
    edge_index = jax.random.randint(k_ei, (2, N_EDGES), 0, N_NODES, dtype=jnp.int64)
    # SAGEConv parameters (PyG layout): lin_l applied to aggregated neighbor
    # features (has bias), lin_r applied to root features (no bias).
    s = 1.0 / np.sqrt(IN_DIM)
    W_l = jax.random.uniform(k_wl, (IN_DIM, OUT_DIM), dtype=jnp.float32, minval=-s, maxval=s)
    b_l = jax.random.uniform(k_bl, (OUT_DIM,), dtype=jnp.float32, minval=-s, maxval=s)
    W_r = jax.random.uniform(k_wr, (IN_DIM, OUT_DIM), dtype=jnp.float32, minval=-s, maxval=s)
    return {"x": x, "edge_index": edge_index, "W_l": W_l, "b_l": b_l, "W_r": W_r}


def reference(x, edge_index, W_l, b_l, W_r):
    src = edge_index[0]
    dst = edge_index[1]
    # gather source-node features (message)
    msg = jnp.take(x, src, axis=0)
    # mean aggregation at destination nodes (scatter-add + degree normalize)
    summed = jax.ops.segment_sum(msg, dst, num_segments=N_NODES)
    ones = jnp.ones((msg.shape[0],), dtype=x.dtype)
    deg = jax.ops.segment_sum(ones, dst, num_segments=N_NODES)
    deg = jnp.clip(deg, 1.0, None)
    mean_agg = summed / deg[:, None]
    # SAGEConv: lin_l(aggr) + lin_r(x_root)
    out = mean_agg @ W_l + b_l + x @ W_r
    # ReLU
    out = jnp.maximum(out, 0.0)
    return out

if __name__ == "__main__":
    import jax
    _d = setup_inputs()
    print(jax.jit(kernel)(*tuple(_d.values())))

</pallas_src>

<mosaic_0001>
#map = affine_map<(d0, d1) -> (0, 0)>
#map1 = affine_map<(d0, d1) -> (0)>
#map2 = affine_map<(d0, d1) -> (0, 0, 0)>
module attributes {stable_mosaic.version = 14 : i64} {
  func.func @_sc_body(%arg0: i32, %arg1: i32, %arg2: memref<10000x128xf32, #tpu.memory_space<hbm>>, %arg3: memref<320000xi32, #tpu.memory_space<hbm>>, %arg4: memref<320000xi32, #tpu.memory_space<hbm>>, %arg5: memref<2x10240x128xf32, #tpu.memory_space<hbm>>, %arg6: memref<80xi32, #tpu.memory_space<vmem>>, %arg7: memref<80xi32, #tpu.memory_space<vmem>>, %arg8: memref<80xi32, #tpu.memory_space<vmem>>, %arg9: memref<80xi32, #tpu.memory_space<vmem>>, %arg10: memref<80x128xf32, #tpu.memory_space<vmem>>, %arg11: memref<80x128xf32, #tpu.memory_space<vmem>>, %arg12: memref<80xi32, #tpu.memory_space<vmem>>, %arg13: memref<10240x128xf32, #tpu.memory_space<vmem_shared>>, %arg14: memref<!tpu.dma_semaphore, #tpu.memory_space<semaphore_mem>>, %arg15: memref<!tpu.dma_semaphore, #tpu.memory_space<semaphore_mem>>, %arg16: memref<!tpu.dma_semaphore, #tpu.memory_space<semaphore_mem>>, %arg17: memref<!tpu.dma_semaphore, #tpu.memory_space<semaphore_mem>>) attributes {dimension_semantics = [#tpu.dimension_semantics<core_parallel>, #tpu.dimension_semantics<subcore_parallel>], iteration_bounds = array<i64: 2, 16>, scalar_prefetch = 0 : i64, scratch_operands = 12 : i64, tpu.core_type = #tpu.core_type<sc_vector_subcore>, window_params = [{transform_indices = #map}, {transform_indices = #map1}, {transform_indices = #map1}, {transform_indices = #map2}]} {
    %mul3A = arith.constant 16 : i32
    %mul3A_0 = arith.muli %arg0, %mul3A : i32
    %add3A = arith.addi %mul3A_0, %arg1 : i32
    %mul3A_1 = arith.constant 640 : i32
    %mul3A_2 = arith.muli %arg1, %mul3A_1 : i32
    %mul3A_3 = arith.constant 10000 : i32
    %mul3A_4 = arith.muli %add3A, %mul3A_3 : i32
    %scan3A = arith.constant 0 : i32
    %scan3A_5 = arith.constant 0 : i32
    %scan3A_6 = arith.constant 80 : i32
    %scan3A_7 = arith.addi %scan3A_5, %scan3A_6 : i32
    %scan3A_8 = arith.constant 1 : i32
    scf.for %scan3A_1010 = %scan3A_5 to %scan3A_7 step %scan3A_8  : i32 {
      %broadcast_in_dim3A = arith.constant 0.000000e+00 : f32
      %broadcast_in_dim3A_1011 = vector.broadcast %broadcast_in_dim3A : f32 to vector<16xf32>
      %swap3A_1012 = arith.index_cast %scan3A_1010 : i32 to index
      %swap3A_1013 = arith.constant 0 : index
      %swap3A_1014 = tpu.vector_load %arg10[%swap3A_1012, %swap3A_1013] {strides = array<i32>} : memref<80x128xf32, #tpu.memory_space<vmem>>, vector<1x16xf32>,
      %swap3A_1015 = vector.shape_cast %swap3A_1014 : vector<1x16xf32> to vector<16xf32>
      %swap3A_1016 = vector.shape_cast %broadcast_in_dim3A_1011 : vector<16xf32> to vector<1x16xf32>
      tpu.vector_store %arg10[%swap3A_1012, %swap3A_1013], %swap3A_1016 {strides = array<i32>} : memref<80x128xf32, #tpu.memory_space<vmem>>, vector<1x16xf32>,
      %broadcast_in_dim3A_1017 = arith.constant 0.000000e+00 : f32
      %broadcast_in_dim3A_1018 = vector.broadcast %broadcast_in_dim3A_1017 : f32 to vector<16xf32>
      %swap3A_1019 = arith.index_cast %scan3A_1010 : i32 to index
      %swap3A_1020 = arith.constant 16 : index
      %swap3A_1021 = tpu.vector_load %arg10[%swap3A_1019, %swap3A_1020] {strides = array<i32>} : memref<80x128xf32, #tpu.memory_space<vmem>>, vector<1x16xf32>,
      %swap3A_1022 = vector.shape_cast %swap3A_1021 : vector<1x16xf32> to vector<16xf32>
      %swap3A_1023 = vector.shape_cast %broadcast_in_dim3A_1018 : vector<16xf32> to vector<1x16xf32>
      tpu.vector_store %arg10[%swap3A_1019, %swap3A_1020], %swap3A_1023 {strides = array<i32>} : memref<80x128xf32, #tpu.memory_space<vmem>>, vector<1x16xf32>,
      %broadcast_in_dim3A_1024 = arith.constant 0.000000e+00 : f32
      %broadcast_in_dim3A_1025 = vector.broadcast %broadcast_in_dim3A_1024 : f32 to vector<16xf32>
      %swap3A_1026 = arith.index_cast %scan3A_1010 : i32 to index
      %swap3A_1027 = arith.constant 32 : index
      %swap3A_1028 = tpu.vector_load %arg10[%swap3A_1026, %swap3A_1027] {strides = array<i32>} : memref<80x128xf32, #tpu.memory_space<vmem>>, vector<1x16xf32>,
      %swap3A_1029 = vector.shape_cast %swap3A_1028 : vector<1x16xf32> to vector<16xf32>
      %swap3A_1030 = vector.shape_cast %broadcast_in_dim3A_1025 : vector<16xf32> to vector<1x16xf32>
      tpu.vector_store %arg10[%swap3A_1026, %swap3A_1027], %swap3A_1030 {strides = array<i32>} : memref<80x128xf32, #tpu.memory_space<vmem>>, vector<1x16xf32>,
      %broadcast_in_dim3A_1031 = arith.constant 0.000000e+00 : f32
      %broadcast_in_dim3A_1032 = vector.broadcast %broadcast_in_dim3A_1031 : f32 to vector<16xf32>
      %swap3A_1033 = arith.index_cast %scan3A_1010 : i32 to index
      %swap3A_1034 = arith.constant 48 : index
      %swap3A_1035 = tpu.vector_load %arg10[%swap3A_1033, %swap3A_1034] {strides = array<i32>} : memref<80x128xf32, #tpu.memory_space<vmem>>, vector<1x16xf32>,
      %swap3A_1036 = vector.shape_cast %swap3A_1035 : vector<1x16xf32> to vector<16xf32>
      %swap3A_1037 = vector.shape_cast %broadcast_in_dim3A_1032 : vector<16xf32> to vector<1x16xf32>
      tpu.vector_store %arg10[%swap3A_1033, %swap3A_1034], %swap3A_1037 {strides = array<i32>} : memref<80x128xf32, #tpu.memory_space<vmem>>, vector<1x16xf32>,
      %broadcast_in_dim3A_1038 = arith.constant 0.000000e+00 : f32
      %broadcast_in_dim3A_1039 = vector.broadcast %broadcast_in_dim3A_1038 : f32 to vector<16xf32>
      %swap3A_1040 = arith.index_cast %scan3A_1010 : i32 to index
      %swap3A_1041 = arith.constant 64 : index
      %swap3A_1042 = tpu.vector_load %arg10[%swap3A_1040, %swap3A_1041] {strides = array<i32>} : memref<80x128xf32, #tpu.memory_space<vmem>>, vector<1x16xf32>,
      %swap3A_1043 = vector.shape_cast %swap3A_1042 : vector<1x16xf32> to vector<16xf32>
      %swap3A_1044 = vector.shape_cast %broadcast_in_dim3A_1039 : vector<16xf32> to vector<1x16xf32>
      tpu.vector_store %arg10[%swap3A_1040, %swap3A_1041], %swap3A_1044 {strides = array<i32>} : memref<80x128xf32, #tpu.memory_space<vmem>>, vector<1x16xf32>,
      %broadcast_in_dim3A_1045 = arith.constant 0.000000e+00 : f32
      %broadcast_in_dim3A_1046 = vector.broadcast %broadcast_in_dim3A_1045 : f32 to vector<16xf32>
      %swap3A_1047 = arith.index_cast %scan3A_1010 : i32 to index
      %swap3A_1048 = arith.constant 80 : index
      %swap3A_1049 = tpu.vector_load %arg10[%swap3A_1047, %swap3A_1048] {strides = array<i32>} : memref<80x128xf32, #tpu.memory_space<vmem>>, vector<1x16xf32>,
      %swap3A_1050 = vector.shape_cast %swap3A_1049 : vector<1x16xf32> to vector<16xf32>
      %swap3A_1051 = vector.shape_cast %broadcast_in_dim3A_1046 : vector<16xf32> to vector<1x16xf32>
      tpu.vector_store %arg10[%swap3A_1047, %swap3A_1048], %swap3A_1051 {strides = array<i32>} : memref<80x128xf32, #tpu.memory_space<vmem>>, vector<1x16xf32>,
      %broadcast_in_dim3A_1052 = arith.constant 0.000000e+00 : f32
      %broadcast_in_dim3A_1053 = vector.broadcast %broadcast_in_dim3A_1052 : f32 to vector<16xf32>
      %swap3A_1054 = arith.index_cast %scan3A_1010 : i32 to index
      %swap3A_1055 = arith.constant 96 : index
      %swap3A_1056 = tpu.vector_load %arg10[%swap3A_1054, %swap3A_1055] {strides = array<i32>} : memref<80x128xf32, #tpu.memory_space<vmem>>, vector<1x16xf32>,
      %swap3A_1057 = vector.shape_cast %swap3A_1056 : vector<1x16xf32> to vector<16xf32>
      %swap3A_1058 = vector.shape_cast %broadcast_in_dim3A_1053 : vector<16xf32> to vector<1x16xf32>
      tpu.vector_store %arg10[%swap3A_1054, %swap3A_1055], %swap3A_1058 {strides = array<i32>} : memref<80x128xf32, #tpu.memory_space<vmem>>, vector<1x16xf32>,
      %broadcast_in_dim3A_1059 = arith.constant 0.000000e+00 : f32
      %broadcast_in_dim3A_1060 = vector.broadcast %broadcast_in_dim3A_1059 : f32 to vector<16xf32>
      %swap3A_1061 = arith.index_cast %scan3A_1010 : i32 to index
      %swap3A_1062 = arith.constant 112 : index
      %swap3A_1063 = tpu.vector_load %arg10[%swap3A_1061, %swap3A_1062] {strides = array<i32>} : memref<80x128xf32, #tpu.memory_space<vmem>>, vector<1x16xf32>,
      %swap3A_1064 = vector.shape_cast %swap3A_1063 : vector<1x16xf32> to vector<16xf32>
      %swap3A_1065 = vector.shape_cast %broadcast_in_dim3A_1060 : vector<16xf32> to vector<1x16xf32>
      tpu.vector_store %arg10[%swap3A_1061, %swap3A_1062], %swap3A_1065 {strides = array<i32>} : memref<80x128xf32, #tpu.memory_space<vmem>>, vector<1x16xf32>,
    }
    %scan3A_9 = arith.constant 80 : i32
    %add3A_10 = arith.constant 0 : i32
    %add3A_11 = arith.addi %mul3A_2, %add3A_10 : i32
    %iota3A = tpu.iota {dimensions = array<i32: 0>} : vector<16xi32>
    %add3A_12 = arith.constant 0 : i32
    %add3A_13 = arith.addi %add3A_11, %add3A_12 : i32
    %add3A_14 = vector.broadcast %add3A_13 : i32 to vector<16xi32>
    %add3A_15 = arith.addi %iota3A, %add3A_14 : vector<16xi32>
    %swap3A = arith.constant 0 : index
    %swap3A_16 = tpu.vector_load %arg12[%swap3A] {strides = array<i32>} : memref<80xi32, #tpu.memory_space<vmem>>, vector<16xi32>,
    %swap3A_17 = vector.shape_cast %swap3A_16 : vector<16xi32> to vector<16xi32>
    %swap3A_18 = vector.shape_cast %add3A_15 : vector<16xi32> to vector<16xi32>
    tpu.vector_store %arg12[%swap3A], %swap3A_18 {strides = array<i32>} : memref<80xi32, #tpu.memory_space<vmem>>, vector<16xi32>,
    %iota3A_19 = tpu.iota {dimensions = array<i32: 0>} : vector<16xi32>
    %add3A_20 = arith.constant 16 : i32
    %add3A_21 = arith.addi %add3A_11, %add3A_20 : i32
    %add3A_22 = vector.broadcast %add3A_21 : i32 to vector<16xi32>
    %add3A_23 = arith.addi %iota3A_19, %add3A_22 : vector<16xi32>
    %swap3A_24 = arith.constant 16 : index
    %swap3A_25 = tpu.vector_load %arg12[%swap3A_24] {strides = array<i32>} : memref<80xi32, #tpu.memory_space<vmem>>, vector<16xi32>,
    %swap3A_26 = vector.shape_cast %swap3A_25 : vector<16xi32> to vector<16xi32>
    %swap3A_27 = vector.shape_cast %add3A_23 : vector<16xi32> to vector<16xi32>
    tpu.vector_store %arg12[%swap3A_24], %swap3A_27 {strides = array<i32>} : memref<80xi32, #tpu.memory_space<vmem>>, vector<16xi32>,
    %iota3A_28 = tpu.iota {dimensions = array<i32: 0>} : vector<16xi32>
    %add3A_29 = arith.constant 32 : i32
    %add3A_30 = arith.addi %add3A_11, %add3A_29 : i32
    %add3A_31 = vector.broadcast %add3A_30 : i32 to vector<16xi32>
    %add3A_32 = arith.addi %iota3A_28, %add3A_31 : vector<16xi32>
    %swap3A_33 = arith.constant 32 : index
    %swap3A_34 = tpu.vector_load %arg12[%swap3A_33] {strides = array<i32>} : memref<80xi32, #tpu.memory_space<vmem>>, vector<16xi32>,
    %swap3A_35 = vector.shape_cast %swap3A_34 : vector<16xi32> to vector<16xi32>
    %swap3A_36 = vector.shape_cast %add3A_32 : vector<16xi32> to vector<16xi32>
    tpu.vector_store %arg12[%swap3A_33], %swap3A_36 {strides = array<i32>} : memref<80xi32, #tpu.memory_space<vmem>>, vector<16xi32>,
    %iota3A_37 = tpu.iota {dimensions = array<i32: 0>} : vector<16xi32>
    %add3A_38 = arith.constant 48 : i32
    %add3A_39 = arith.addi %add3A_11, %add3A_38 : i32
    %add3A_40 = vector.broadcast %add3A_39 : i32 to vector<16xi32>
    %add3A_41 = arith.addi %iota3A_37, %add3A_40 : vector<16xi32>
    %swap3A_42 = arith.constant 48 : index
    %swap3A_43 = tpu.vector_load %arg12[%swap3A_42] {strides = array<i32>} : memref<80xi32, #tpu.memory_space<vmem>>, vector<16xi32>,
    %swap3A_44 = vector.shape_cast %swap3A_43 : vector<16xi32> to vector<16xi32>
    %swap3A_45 = vector.shape_cast %add3A_41 : vector<16xi32> to vector<16xi32>
    tpu.vector_store %arg12[%swap3A_42], %swap3A_45 {strides = array<i32>} : memref<80xi32, #tpu.memory_space<vmem>>, vector<16xi32>,
    %iota3A_46 = tpu.iota {dimensions = array<i32: 0>} : vector<16xi32>
    %add3A_47 = arith.constant 64 : i32
    %add3A_48 = arith.addi %add3A_11, %add3A_47 : i32
    %add3A_49 = vector.broadcast %add3A_48 : i32 to vector<16xi32>
    %add3A_50 = arith.addi %iota3A_46, %add3A_49 : vector<16xi32>
    %swap3A_51 = arith.constant 64 : index
    %swap3A_52 = tpu.vector_load %arg12[%swap3A_51] {strides = array<i32>} : memref<80xi32, #tpu.memory_space<vmem>>, vector<16xi32>,
    %swap3A_53 = vector.shape_cast %swap3A_52 : vector<16xi32> to vector<16xi32>
    %swap3A_54 = vector.shape_cast %add3A_50 : vector<16xi32> to vector<16xi32>
    tpu.vector_store %arg12[%swap3A_51], %swap3A_54 {strides = array<i32>} : memref<80xi32, #tpu.memory_space<vmem>>, vector<16xi32>,
    %dma_start3A = arith.constant 0 : i32
    %dma_start3A_55 = arith.constant 0 : i32
    %dma_start3A_56 = tpu.memref_slice %arg13[%dma_start3A, %dma_start3A_55] : memref<10240x128xf32, #tpu.memory_space<vmem_shared>> -> memref<10240x128xf32, #tpu.memory_space<vmem_shared>>
    tpu.enqueue_indirect_dma source(%arg10 : memref<80x128xf32, #tpu.memory_space<vmem>>) target(%dma_start3A_56 : memref<10240x128xf32, #tpu.memory_space<vmem_shared>>) offsets(%arg12 : memref<80xi32, #tpu.memory_space<vmem>>) semaphore(%arg16 : memref<!tpu.dma_semaphore, #tpu.memory_space<semaphore_mem>>)
    %add3A_57 = arith.constant 80 : i32
    %add3A_58 = arith.addi %mul3A_2, %add3A_57 : i32
    %iota3A_59 = tpu.iota {dimensions = array<i32: 0>} : vector<16xi32>
    %add3A_60 = arith.constant 0 : i32
    %add3A_61 = arith.addi %add3A_58, %add3A_60 : i32
    %add3A_62 = vector.broadcast %add3A_61 : i32 to vector<16xi32>
    %add3A_63 = arith.addi %iota3A_59, %add3A_62 : vector<16xi32>
    %swap3A_64 = arith.constant 0 : index
    %swap3A_65 = tpu.vector_load %arg8[%swap3A_64] {strides = array<i32>} : memref<80xi32, #tpu.memory_space<vmem>>, vector<16xi32>,
    %swap3A_66 = vector.shape_cast %swap3A_65 : vector<16xi32> to vector<16xi32>
    %swap3A_67 = vector.shape_cast %add3A_63 : vector<16xi32> to vector<16xi32>
    tpu.vector_store %arg8[%swap3A_64], %swap3A_67 {strides = array<i32>} : memref<80xi32, #tpu.memory_space<vmem>>, vector<16xi32>,
    %iota3A_68 = tpu.iota {dimensions = array<i32: 0>} : vector<16xi32>
    %add3A_69 = arith.constant 16 : i32
    %add3A_70 = arith.addi %add3A_58, %add3A_69 : i32
    %add3A_71 = vector.broadcast %add3A_70 : i32 to vector<16xi32>
    %add3A_72 = arith.addi %iota3A_68, %add3A_71 : vector<16xi32>
    %swap3A_73 = arith.constant 16 : index
    %swap3A_74 = tpu.vector_load %arg8[%swap3A_73] {strides = array<i32>} : memref<80xi32, #tpu.memory_space<vmem>>, vector<16xi32>,
    %swap3A_75 = vector.shape_cast %swap3A_74 : vector<16xi32> to vector<16xi32>
    %swap3A_76 = vector.shape_cast %add3A_72 : vector<16xi32> to vector<16xi32>
    tpu.vector_store %arg8[%swap3A_73], %swap3A_76 {strides = array<i32>} : memref<80xi32, #tpu.memory_space<vmem>>, vector<16xi32>,
    %iota3A_77 = tpu.iota {dimensions = array<i32: 0>} : vector<16xi32>
    %add3A_78 = arith.constant 32 : i32
    %add3A_79 = arith.addi %add3A_58, %add3A_78 : i32
    %add3A_80 = vector.broadcast %add3A_79 : i32 to vector<16xi32>
    %add3A_81 = arith.addi %iota3A_77, %add3A_80 : vector<16xi32>
    %swap3A_82 = arith.constant 32 : index
    %swap3A_83 = tpu.vector_load %arg8[%swap3A_82] {strides = array<i32>} : memref<80xi32, #tpu.memory_space<vmem>>, vector<16xi32>,
    %swap3A_84 = vector.shape_cast %swap3A_83 : vector<16xi32> to vector<16xi32>
    %swap3A_85 = vector.shape_cast %add3A_81 : vector<16xi32> to vector<16xi32>
    tpu.vector_store %arg8[%swap3A_82], %swap3A_85 {strides = array<i32>} : memref<80xi32, #tpu.memory_space<vmem>>, vector<16xi32>,
    %iota3A_86 = tpu.iota {dimensions = array<i32: 0>} : vector<16xi32>
    %add3A_87 = arith.constant 48 : i32
    %add3A_88 = arith.addi %add3A_58, %add3A_87 : i32
    %add3A_89 = vector.broadcast %add3A_88 : i32 to vector<16xi32>
    %add3A_90 = arith.addi %iota3A_86, %add3A_89 : vector<16xi32>
    %swap3A_91 = arith.constant 48 : index
    %swap3A_92 = tpu.vector_load %arg8[%swap3A_91] {strides = array<i32>} : memref<80xi32, #tpu.memory_space<vmem>>, vector<16xi32>,
    %swap3A_93 = vector.shape_cast %swap3A_92 : vector<16xi32> to vector<16xi32>
    %swap3A_94 = vector.shape_cast %add3A_90 : vector<16xi32> to vector<16xi32>
    tpu.vector_store %arg8[%swap3A_91], %swap3A_94 {strides = array<i32>} : memref<80xi32, #tpu.memory_space<vmem>>, vector<16xi32>,
    %iota3A_95 = tpu.iota {dimensions = array<i32: 0>} : vector<16xi32>
    %add3A_96 = arith.constant 64 : i32
    %add3A_97 = arith.addi %add3A_58, %add3A_96 : i32
    %add3A_98 = vector.broadcast %add3A_97 : i32 to vector<16xi32>
    %add3A_99 = arith.addi %iota3A_95, %add3A_98 : vector<16xi32>
    %swap3A_100 = arith.constant 64 : index
    %swap3A_101 = tpu.vector_load %arg8[%swap3A_100] {strides = array<i32>} : memref<80xi32, #tpu.memory_space<vmem>>, vector<16xi32>,
    %swap3A_102 = vector.shape_cast %swap3A_101 : vector<16xi32> to vector<16xi32>
    %swap3A_103 = vector.shape_cast %add3A_99 : vector<16xi32> to vector<16xi32>
    tpu.vector_store %arg8[%swap3A_100], %swap3A_103 {strides = array<i32>} : memref<80xi32, #tpu.memory_space<vmem>>, vector<16xi32>,
    %dma_start3A_104 = arith.constant 0 : i32
    %dma_start3A_105 = arith.constant 0 : i32
    %dma_start3A_106 = tpu.memref_slice %arg13[%dma_start3A_104, %dma_start3A_105] : memref<10240x128xf32, #tpu.memory_space<vmem_shared>> -> memref<10240x128xf32, #tpu.memory_space<vmem_shared>>
    tpu.enqueue_indirect_dma source(%arg10 : memref<80x128xf32, #tpu.memory_space<vmem>>) target(%dma_start3A_106 : memref<10240x128xf32, #tpu.memory_space<vmem_shared>>) offsets(%arg8 : memref<80xi32, #tpu.memory_space<vmem>>) semaphore(%arg16 : memref<!tpu.dma_semaphore, #tpu.memory_space<semaphore_mem>>)
    %dma_wait3A = arith.constant 0 : i32
    %dma_wait3A_107 = arith.constant 0 : i32
    %dma_wait3A_108 = tpu.memref_slice %arg13[%dma_wait3A, %dma_wait3A_107] : memref<10240x128xf32, #tpu.memory_space<vmem_shared>> -> memref<10240x128xf32, #tpu.memory_space<vmem_shared>>
    tpu.wait_indirect_dma semaphore(%arg16 : memref<!tpu.dma_semaphore, #tpu.memory_space<semaphore_mem>>) src(%arg10 : memref<80x128xf32, #tpu.memory_space<vmem>>) dst(%dma_wait3A_108 : memref<10240x128xf32, #tpu.memory_space<vmem_shared>>)
    %add3A_109 = arith.constant 160 : i32
    %add3A_110 = arith.addi %mul3A_2, %add3A_109 : i32
    %iota3A_111 = tpu.iota {dimensions = array<i32: 0>} : vector<16xi32>
    %add3A_112 = arith.constant 0 : i32
    %add3A_113 = arith.addi %add3A_110, %add3A_112 : i32
    %add3A_114 = vector.broadcast %add3A_113 : i32 to vector<16xi32>
    %add3A_115 = arith.addi %iota3A_111, %add3A_114 : vector<16xi32>
    %swap3A_116 = arith.constant 0 : index
    %swap3A_117 = tpu.vector_load %arg12[%swap3A_116] {strides = array<i32>} : memref<80xi32, #tpu.memory_space<vmem>>, vector<16xi32>,
    %swap3A_118 = vector.shape_cast %swap3A_117 : vector<16xi32> to vector<16xi32>
    %swap3A_119 = vector.shape_cast %add3A_115 : vector<16xi32> to vector<16xi32>
    tpu.vector_store %arg12[%swap3A_116], %swap3A_119 {strides = array<i32>} : memref<80xi32, #tpu.memory_space<vmem>>, vector<16xi32>,
    %iota3A_120 = tpu.iota {dimensions = array<i32: 0>} : vector<16xi32>
    %add3A_121 = arith.constant 16 : i32
    %add3A_122 = arith.addi %add3A_110, %add3A_121 : i32
    %add3A_123 = vector.broadcast %add3A_122 : i32 to vector<16xi32>
    %add3A_124 = arith.addi %iota3A_120, %add3A_123 : vector<16xi32>
    %swap3A_125 = arith.constant 16 : index
    %swap3A_126 = tpu.vector_load %arg12[%swap3A_125] {strides = array<i32>} : memref<80xi32, #tpu.memory_space<vmem>>, vector<16xi32>,
    %swap3A_127 = vector.shape_cast %swap3A_126 : vector<16xi32> to vector<16xi32>
    %swap3A_128 = vector.shape_cast %add3A_124 : vector<16xi32> to vector<16xi32>
    tpu.vector_store %arg12[%swap3A_125], %swap3A_128 {strides = array<i32>} : memref<80xi32, #tpu.memory_space<vmem>>, vector<16xi32>,
    %iota3A_129 = tpu.iota {dimensions = array<i32: 0>} : vector<16xi32>
    %add3A_130 = arith.constant 32 : i32
    %add3A_131 = arith.addi %add3A_110, %add3A_130 : i32
    %add3A_132 = vector.broadcast %add3A_131 : i32 to vector<16xi32>
    %add3A_133 = arith.addi %iota3A_129, %add3A_132 : vector<16xi32>
    %swap3A_134 = arith.constant 32 : index
    %swap3A_135 = tpu.vector_load %arg12[%swap3A_134] {strides = array<i32>} : memref<80xi32, #tpu.memory_space<vmem>>, vector<16xi32>,
    %swap3A_136 = vector.shape_cast %swap3A_135 : vector<16xi32> to vector<16xi32>
    %swap3A_137 = vector.shape_cast %add3A_133 : vector<16xi32> to vector<16xi32>
    tpu.vector_store %arg12[%swap3A_134], %swap3A_137 {strides = array<i32>} : memref<80xi32, #tpu.memory_space<vmem>>, vector<16xi32>,
    %iota3A_138 = tpu.iota {dimensions = array<i32: 0>} : vector<16xi32>
    %add3A_139 = arith.constant 48 : i32
    %add3A_140 = arith.addi %add3A_110, %add3A_139 : i32
    %add3A_141 = vector.broadcast %add3A_140 : i32 to vector<16xi32>
    %add3A_142 = arith.addi %iota3A_138, %add3A_141 : vector<16xi32>
    %swap3A_143 = arith.constant 48 : index
    %swap3A_144 = tpu.vector_load %arg12[%swap3A_143] {strides = array<i32>} : memref<80xi32, #tpu.memory_space<vmem>>, vector<16xi32>,
    %swap3A_145 = vector.shape_cast %swap3A_144 : vector<16xi32> to vector<16xi32>
    %swap3A_146 = vector.shape_cast %add3A_142 : vector<16xi32> to vector<16xi32>
    tpu.vector_store %arg12[%swap3A_143], %swap3A_146 {strides = array<i32>} : memref<80xi32, #tpu.memory_space<vmem>>, vector<16xi32>,
    %iota3A_147 = tpu.iota {dimensions = array<i32: 0>} : vector<16xi32>
    %add3A_148 = arith.constant 64 : i32
    %add3A_149 = arith.addi %add3A_110, %add3A_148 : i32
    %add3A_150 = vector.broadcast %add3A_149 : i32 to vector<16xi32>
    %add3A_151 = arith.addi %iota3A_147, %add3A_150 : vector<16xi32>
    %swap3A_152 = arith.constant 64 : index
    %swap3A_153 = tpu.vector_load %arg12[%swap3A_152] {strides = array<i32>} : memref<80xi32, #tpu.memory_space<vmem>>, vector<16xi32>,
    %swap3A_154 = vector.shape_cast %swap3A_153 : vector<16xi32> to vector<16xi32>
    %swap3A_155 = vector.shape_cast %add3A_151 : vector<16xi32> to vector<16xi32>
    tpu.vector_store %arg12[%swap3A_152], %swap3A_155 {strides = array<i32>} : memref<80xi32, #tpu.memory_space<vmem>>, vector<16xi32>,
    %dma_start3A_156 = arith.constant 0 : i32
    %dma_start3A_157 = arith.constant 0 : i32
    %dma_start3A_158 = tpu.memref_slice %arg13[%dma_start3A_156, %dma_start3A_157] : memref<10240x128xf32, #tpu.memory_space<vmem_shared>> -> memref<10240x128xf32, #tpu.memory_space<vmem_shared>>
    tpu.enqueue_indirect_dma source(%arg10 : memref<80x128xf32, #tpu.memory_space<vmem>>) target(%dma_start3A_158 : memref<10240x128xf32, #tpu.memory_space<vmem_shared>>) offsets(%arg12 : memref<80xi32, #tpu.memory_space<vmem>>) semaphore(%arg16 : memref<!tpu.dma_semaphore, #tpu.memory_space<semaphore_mem>>)
    %dma_wait3A_159 = arith.constant 0 : i32
    %dma_wait3A_160 = arith.constant 0 : i32
    %dma_wait3A_161 = tpu.memref_slice %arg13[%dma_wait3A_159, %dma_wait3A_160] : memref<10240x128xf32, #tpu.memory_space<vmem_shared>> -> memref<10240x128xf32, #tpu.memory_space<vmem_shared>>
    tpu.wait_indirect_dma semaphore(%arg16 : memref<!tpu.dma_semaphore, #tpu.memory_space<semaphore_mem>>) src(%arg10 : memref<80x128xf32, #tpu.memory_space<vmem>>) dst(%dma_wait3A_161 : memref<10240x128xf32, #tpu.memory_space<vmem_shared>>)
    %add3A_162 = arith.constant 240 : i32
    %add3A_163 = arith.addi %mul3A_2, %add3A_162 : i32
    %iota3A_164 = tpu.iota {dimensions = array<i32: 0>} : vector<16xi32>
    %add3A_165 = arith.constant 0 : i32
    %add3A_166 = arith.addi %add3A_163, %add3A_165 : i32
    %add3A_167 = vector.broadcast %add3A_166 : i32 to vector<16xi32>
    %add3A_168 = arith.addi %iota3A_164, %add3A_167 : vector<16xi32>
    %swap3A_169 = arith.constant 0 : index
    %swap3A_170 = tpu.vector_load %arg8[%swap3A_169] {strides = array<i32>} : memref<80xi32, #tpu.memory_space<vmem>>, vector<16xi32>,
    %swap3A_171 = vector.shape_cast %swap3A_170 : vector<16xi32> to vector<16xi32>
    %swap3A_172 = vector.shape_cast %add3A_168 : vector<16xi32> to vector<16xi32>
    tpu.vector_store %arg8[%swap3A_169], %swap3A_172 {strides = array<i32>} : memref<80xi32, #tpu.memory_space<vmem>>, vector<16xi32>,
    %iota3A_173 = tpu.iota {dimensions = array<i32: 0>} : vector<16xi32>
    %add3A_174 = arith.constant 16 : i32
    %add3A_175 = arith.addi %add3A_163, %add3A_174 : i32
    %add3A_176 = vector.broadcast %add3A_175 : i32 to vector<16xi32>
    %add3A_177 = arith.addi %iota3A_173, %add3A_176 : vector<16xi32>
    %swap3A_178 = arith.constant 16 : index
    %swap3A_179 = tpu.vector_load %arg8[%swap3A_178] {strides = array<i32>} : memref<80xi32, #tpu.memory_space<vmem>>, vector<16xi32>,
    %swap3A_180 = vector.shape_cast %swap3A_179 : vector<16xi32> to vector<16xi32>
    %swap3A_181 = vector.shape_cast %add3A_177 : vector<16xi32> to vector<16xi32>
    tpu.vector_store %arg8[%swap3A_178], %swap3A_181 {strides = array<i32>} : memref<80xi32, #tpu.memory_space<vmem>>, vector<16xi32>,
    %iota3A_182 = tpu.iota {dimensions = array<i32: 0>} : vector<16xi32>
    %add3A_183 = arith.constant 32 : i32
    %add3A_184 = arith.addi %add3A_163, %add3A_183 : i32
    %add3A_185 = vector.broadcast %add3A_184 : i32 to vector<16xi32>
    %add3A_186 = arith.addi %iota3A_182, %add3A_185 : vector<16xi32>
    %swap3A_187 = arith.constant 32 : index
    %swap3A_188 = tpu.vector_load %arg8[%swap3A_187] {strides = array<i32>} : memref<80xi32, #tpu.memory_space<vmem>>, vector<16xi32>,
    %swap3A_189 = vector.shape_cast %swap3A_188 : vector<16xi32> to vector<16xi32>
    %swap3A_190 = vector.shape_cast %add3A_186 : vector<16xi32> to vector<16xi32>
    tpu.vector_store %arg8[%swap3A_187], %swap3A_190 {strides = array<i32>} : memref<80xi32, #tpu.memory_space<vmem>>, vector<16xi32>,
    %iota3A_191 = tpu.iota {dimensions = array<i32: 0>} : vector<16xi32>
    %add3A_192 = arith.constant 48 : i32
    %add3A_193 = arith.addi %add3A_163, %add3A_192 : i32
    %add3A_194 = vector.broadcast %add3A_193 : i32 to vector<16xi32>
    %add3A_195 = arith.addi %iota3A_191, %add3A_194 : vector<16xi32>
    %swap3A_196 = arith.constant 48 : index
    %swap3A_197 = tpu.vector_load %arg8[%swap3A_196] {strides = array<i32>} : memref<80xi32, #tpu.memory_space<vmem>>, vector<16xi32>,
    %swap3A_198 = vector.shape_cast %swap3A_197 : vector<16xi32> to vector<16xi32>
    %swap3A_199 = vector.shape_cast %add3A_195 : vector<16xi32> to vector<16xi32>
    tpu.vector_store %arg8[%swap3A_196], %swap3A_199 {strides = array<i32>} : memref<80xi32, #tpu.memory_space<vmem>>, vector<16xi32>,
    %iota3A_200 = tpu.iota {dimensions = array<i32: 0>} : vector<16xi32>
    %add3A_201 = arith.constant 64 : i32
    %add3A_202 = arith.addi %add3A_163, %add3A_201 : i32
    %add3A_203 = vector.broadcast %add3A_202 : i32 to vector<16xi32>
    %add3A_204 = arith.addi %iota3A_200, %add3A_203 : vector<16xi32>
    %swap3A_205 = arith.constant 64 : index
    %swap3A_206 = tpu.vector_load %arg8[%swap3A_205] {strides = array<i32>} : memref<80xi32, #tpu.memory_space<vmem>>, vector<16xi32>,
    %swap3A_207 = vector.shape_cast %swap3A_206 : vector<16xi32> to vector<16xi32>
    %swap3A_208 = vector.shape_cast %add3A_204 : vector<16xi32> to vector<16xi32>
    tpu.vector_store %arg8[%swap3A_205], %swap3A_208 {strides = array<i32>} : memref<80xi32, #tpu.memory_space<vmem>>, vector<16xi32>,
    %dma_start3A_209 = arith.constant 0 : i32
    %dma_start3A_210 = arith.constant 0 : i32
    %dma_start3A_211 = tpu.memref_slice %arg13[%dma_start3A_209, %dma_start3A_210] : memref<10240x128xf32, #tpu.memory_space<vmem_shared>> -> memref<10240x128xf32, #tpu.memory_space<vmem_shared>>
    tpu.enqueue_indirect_dma source(%arg10 : memref<80x128xf32, #tpu.memory_space<vmem>>) target(%dma_start3A_211 : memref<10240x128xf32, #tpu.memory_space<vmem_shared>>) offsets(%arg8 : memref<80xi32, #tpu.memory_space<vmem>>) semaphore(%arg16 : memref<!tpu.dma_semaphore, #tpu.memory_space<semaphore_mem>>)
    %dma_wait3A_212 = arith.constant 0 : i32
    %dma_wait3A_213 = arith.constant 0 : i32
    %dma_wait3A_214 = tpu.memref_slice %arg13[%dma_wait3A_212, %dma_wait3A_213] : memref<10240x128xf32, #tpu.memory_space<vmem_shared>> -> memref<10240x128xf32, #tpu.memory_space<vmem_shared>>
    tpu.wait_indirect_dma semaphore(%arg16 : memref<!tpu.dma_semaphore, #tpu.memory_space<semaphore_mem>>) src(%arg10 : memref<80x128xf32, #tpu.memory_space<vmem>>) dst(%dma_wait3A_214 : memref<10240x128xf32, #tpu.memory_space<vmem_shared>>)
    %add3A_215 = arith.constant 320 : i32
    %add3A_216 = arith.addi %mul3A_2, %add3A_215 : i32
    %iota3A_217 = tpu.iota {dimensions = array<i32: 0>} : vector<16xi32>
    %add3A_218 = arith.constant 0 : i32
    %add3A_219 = arith.addi %add3A_216, %add3A_218 : i32
    %add3A_220 = vector.broadcast %add3A_219 : i32 to vector<16xi32>
    %add3A_221 = arith.addi %iota3A_217, %add3A_220 : vector<16xi32>
    %swap3A_222 = arith.constant 0 : index
    %swap3A_223 = tpu.vector_load %arg12[%swap3A_222] {strides = array<i32>} : memref<80xi32, #tpu.memory_space<vmem>>, vector<16xi32>,
    %swap3A_224 = vector.shape_cast %swap3A_223 : vector<16xi32> to vector<16xi32>
    %swap3A_225 = vector.shape_cast %add3A_221 : vector<16xi32> to vector<16xi32>
    tpu.vector_store %arg12[%swap3A_222], %swap3A_225 {strides = array<i32>} : memref<80xi32, #tpu.memory_space<vmem>>, vector<16xi32>,
    %iota3A_226 = tpu.iota {dimensions = array<i32: 0>} : vector<16xi32>
    %add3A_227 = arith.constant 16 : i32
    %add3A_228 = arith.addi %add3A_216, %add3A_227 : i32
    %add3A_229 = vector.broadcast %add3A_228 : i32 to vector<16xi32>
    %add3A_230 = arith.addi %iota3A_226, %add3A_229 : vector<16xi32>
    %swap3A_231 = arith.constant 16 : index
    %swap3A_232 = tpu.vector_load %arg12[%swap3A_231] {strides = array<i32>} : memref<80xi32, #tpu.memory_space<vmem>>, vector<16xi32>,
    %swap3A_233 = vector.shape_cast %swap3A_232 : vector<16xi32> to vector<16xi32>
    %swap3A_234 = vector.shape_cast %add3A_230 : vector<16xi32> to vector<16xi32>
    tpu.vector_store %arg12[%swap3A_231], %swap3A_234 {strides = array<i32>} : memref<80xi32, #tpu.memory_space<vmem>>, vector<16xi32>,
    %iota3A_235 = tpu.iota {dimensions = array<i32: 0>} : vector<16xi32>
    %add3A_236 = arith.constant 32 : i32
    %add3A_237 = arith.addi %add3A_216, %add3A_236 : i32
    %add3A_238 = vector.broadcast %add3A_237 : i32 to vector<16xi32>
    %add3A_239 = arith.addi %iota3A_235, %add3A_238 : vector<16xi32>
    %swap3A_240 = arith.constant 32 : index
    %swap3A_241 = tpu.vector_load %arg12[%swap3A_240] {strides = array<i32>} : memref<80xi32, #tpu.memory_space<vmem>>, vector<16xi32>,
    %swap3A_242 = vector.shape_cast %swap3A_241 : vector<16xi32> to vector<16xi32>
    %swap3A_243 = vector.shape_cast %add3A_239 : vector<16xi32> to vector<16xi32>
    tpu.vector_store %arg12[%swap3A_240], %swap3A_243 {strides = array<i32>} : memref<80xi32, #tpu.memory_space<vmem>>, vector<16xi32>,
    %iota3A_244 = tpu.iota {dimensions = array<i32: 0>} : vector<16xi32>
    %add3A_245 = arith.constant 48 : i32
    %add3A_246 = arith.addi %add3A_216, %add3A_245 : i32
    %add3A_247 = vector.broadcast %add3A_246 : i32 to vector<16xi32>
    %add3A_248 = arith.addi %iota3A_244, %add3A_247 : vector<16xi32>
    %swap3A_249 = arith.constant 48 : index
    %swap3A_250 = tpu.vector_load %arg12[%swap3A_249] {strides = array<i32>} : memref<80xi32, #tpu.memory_space<vmem>>, vector<16xi32>,
    %swap3A_251 = vector.shape_cast %swap3A_250 : vector<16xi32> to vector<16xi32>
    %swap3A_252 = vector.shape_cast %add3A_248 : vector<16xi32> to vector<16xi32>
    tpu.vector_store %arg12[%swap3A_249], %swap3A_252 {strides = array<i32>} : memref<80xi32, #tpu.memory_space<vmem>>, vector<16xi32>,
    %iota3A_253 = tpu.iota {dimensions = array<i32: 0>} : vector<16xi32>
    %add3A_254 = arith.constant 64 : i32
    %add3A_255 = arith.addi %add3A_216, %add3A_254 : i32
    %add3A_256 = vector.broadcast %add3A_255 : i32 to vector<16xi32>
    %add3A_257 = arith.addi %iota3A_253, %add3A_256 : vector<16xi32>
    %swap3A_258 = arith.constant 64 : index
    %swap3A_259 = tpu.vector_load %arg12[%swap3A_258] {strides = array<i32>} : memref<80xi32, #tpu.memory_space<vmem>>, vector<16xi32>,
    %swap3A_260 = vector.shape_cast %swap3A_259 : vector<16xi32> to vector<16xi32>
    %swap3A_261 = vector.shape_cast %add3A_257 : vector<16xi32> to vector<16xi32>
    tpu.vector_store %arg12[%swap3A_258], %swap3A_261 {strides = array<i32>} : memref<80xi32, #tpu.memory_space<vmem>>, vector<16xi32>,
    %dma_start3A_262 = arith.constant 0 : i32
    %dma_start3A_263 = arith.constant 0 : i32
    %dma_start3A_264 = tpu.memref_slice %arg13[%dma_start3A_262, %dma_start3A_263] : memref<10240x128xf32, #tpu.memory_space<vmem_shared>> -> memref<10240x128xf32, #tpu.memory_space<vmem_shared>>
    tpu.enqueue_indirect_dma source(%arg10 : memref<80x128xf32, #tpu.memory_space<vmem>>) target(%dma_start3A_264 : memref<10240x128xf32, #tpu.memory_space<vmem_shared>>) offsets(%arg12 : memref<80xi32, #tpu.memory_space<vmem>>) semaphore(%arg16 : memref<!tpu.dma_semaphore, #tpu.memory_space<semaphore_mem>>)
    %dma_wait3A_265 = arith.constant 0 : i32
    %dma_wait3A_266 = arith.constant 0 : i32
    %dma_wait3A_267 = tpu.memref_slice %arg13[%dma_wait3A_265, %dma_wait3A_266] : memref<10240x128xf32, #tpu.memory_space<vmem_shared>> -> memref<10240x128xf32, #tpu.memory_space<vmem_shared>>
    tpu.wait_indirect_dma semaphore(%arg16 : memref<!tpu.dma_semaphore, #tpu.memory_space<semaphore_mem>>) src(%arg10 : memref<80x128xf32, #tpu.memory_space<vmem>>) dst(%dma_wait3A_267 : memref<10240x128xf32, #tpu.memory_space<vmem_shared>>)
    %add3A_268 = arith.constant 400 : i32
    %add3A_269 = arith.addi %mul3A_2, %add3A_268 : i32
    %iota3A_270 = tpu.iota {dimensions = array<i32: 0>} : vector<16xi32>
    %add3A_271 = arith.constant 0 : i32
    %add3A_272 = arith.addi %add3A_269, %add3A_271 : i32
    %add3A_273 = vector.broadcast %add3A_272 : i32 to vector<16xi32>
    %add3A_274 = arith.addi %iota3A_270, %add3A_273 : vector<16xi32>
    %swap3A_275 = arith.constant 0 : index
    %swap3A_276 = tpu.vector_load %arg8[%swap3A_275] {strides = array<i32>} : memref<80xi32, #tpu.memory_space<vmem>>, vector<16xi32>,
    %swap3A_277 = vector.shape_cast %swap3A_276 : vector<16xi32> to vector<16xi32>
    %swap3A_278 = vector.shape_cast %add3A_274 : vector<16xi32> to vector<16xi32>
    tpu.vector_store %arg8[%swap3A_275], %swap3A_278 {strides = array<i32>} : memref<80xi32, #tpu.memory_space<vmem>>, vector<16xi32>,
    %iota3A_279 = tpu.iota {dimensions = array<i32: 0>} : vector<16xi32>
    %add3A_280 = arith.constant 16 : i32
    %add3A_281 = arith.addi %add3A_269, %add3A_280 : i32
    %add3A_282 = vector.broadcast %add3A_281 : i32 to vector<16xi32>
    %add3A_283 = arith.addi %iota3A_279, %add3A_282 : vector<16xi32>
    %swap3A_284 = arith.constant 16 : index
    %swap3A_285 = tpu.vector_load %arg8[%swap3A_284] {strides = array<i32>} : memref<80xi32, #tpu.memory_space<vmem>>, vector<16xi32>,
    %swap3A_286 = vector.shape_cast %swap3A_285 : vector<16xi32> to vector<16xi32>
    %swap3A_287 = vector.shape_cast %add3A_283 : vector<16xi32> to vector<16xi32>
    tpu.vector_store %arg8[%swap3A_284], %swap3A_287 {strides = array<i32>} : memref<80xi32, #tpu.memory_space<vmem>>, vector<16xi32>,
    %iota3A_288 = tpu.iota {dimensions = array<i32: 0>} : vector<16xi32>
    %add3A_289 = arith.constant 32 : i32
    %add3A_290 = arith.addi %add3A_269, %add3A_289 : i32
    %add3A_291 = vector.broadcast %add3A_290 : i32 to vector<16xi32>
    %add3A_292 = arith.addi %iota3A_288, %add3A_291 : vector<16xi32>
    %swap3A_293 = arith.constant 32 : index
    %swap3A_294 = tpu.vector_load %arg8[%swap3A_293] {strides = array<i32>} : memref<80xi32, #tpu.memory_space<vmem>>, vector<16xi32>,
    %swap3A_295 = vector.shape_cast %swap3A_294 : vector<16xi32> to vector<16xi32>
    %swap3A_296 = vector.shape_cast %add3A_292 : vector<16xi32> to vector<16xi32>
    tpu.vector_store %arg8[%swap3A_293], %swap3A_296 {strides = array<i32>} : memref<80xi32, #tpu.memory_space<vmem>>, vector<16xi32>,
    %iota3A_297 = tpu.iota {dimensions = array<i32: 0>} : vector<16xi32>
    %add3A_298 = arith.constant 48 : i32
    %add3A_299 = arith.addi %add3A_269, %add3A_298 : i32
    %add3A_300 = vector.broadcast %add3A_299 : i32 to vector<16xi32>
    %add3A_301 = arith.addi %iota3A_297, %add3A_300 : vector<16xi32>
    %swap3A_302 = arith.constant 48 : index
    %swap3A_303 = tpu.vector_load %arg8[%swap3A_302] {strides = array<i32>} : memref<80xi32, #tpu.memory_space<vmem>>, vector<16xi32>,
    %swap3A_304 = vector.shape_cast %swap3A_303 : vector<16xi32> to vector<16xi32>
    %swap3A_305 = vector.shape_cast %add3A_301 : vector<16xi32> to vector<16xi32>
    tpu.vector_store %arg8[%swap3A_302], %swap3A_305 {strides = array<i32>} : memref<80xi32, #tpu.memory_space<vmem>>, vector<16xi32>,
    %iota3A_306 = tpu.iota {dimensions = array<i32: 0>} : vector<16xi32>
    %add3A_307 = arith.constant 64 : i32
    %add3A_308 = arith.addi %add3A_269, %add3A_307 : i32
    %add3A_309 = vector.broadcast %add3A_308 : i32 to vector<16xi32>
    %add3A_310 = arith.addi %iota3A_306, %add3A_309 : vector<16xi32>
    %swap3A_311 = arith.constant 64 : index
    %swap3A_312 = tpu.vector_load %arg8[%swap3A_311] {strides = array<i32>} : memref<80xi32, #tpu.memory_space<vmem>>, vector<16xi32>,
    %swap3A_313 = vector.shape_cast %swap3A_312 : vector<16xi32> to vector<16xi32>
    %swap3A_314 = vector.shape_cast %add3A_310 : vector<16xi32> to vector<16xi32>
    tpu.vector_store %arg8[%swap3A_311], %swap3A_314 {strides = array<i32>} : memref<80xi32, #tpu.memory_space<vmem>>, vector<16xi32>,
    %dma_start3A_315 = arith.constant 0 : i32
    %dma_start3A_316 = arith.constant 0 : i32
    %dma_start3A_317 = tpu.memref_slice %arg13[%dma_start3A_315, %dma_start3A_316] : memref<10240x128xf32, #tpu.memory_space<vmem_shared>> -> memref<10240x128xf32, #tpu.memory_space<vmem_shared>>
    tpu.enqueue_indirect_dma source(%arg10 : memref<80x128xf32, #tpu.memory_space<vmem>>) target(%dma_start3A_317 : memref<10240x128xf32, #tpu.memory_space<vmem_shared>>) offsets(%arg8 : memref<80xi32, #tpu.memory_space<vmem>>) semaphore(%arg16 : memref<!tpu.dma_semaphore, #tpu.memory_space<semaphore_mem>>)
    %dma_wait3A_318 = arith.constant 0 : i32
    %dma_wait3A_319 = arith.constant 0 : i32
    %dma_wait3A_320 = tpu.memref_slice %arg13[%dma_wait3A_318, %dma_wait3A_319] : memref<10240x128xf32, #tpu.memory_space<vmem_shared>> -> memref<10240x128xf32, #tpu.memory_space<vmem_shared>>
    tpu.wait_indirect_dma semaphore(%arg16 : memref<!tpu.dma_semaphore, #tpu.memory_space<semaphore_mem>>) src(%arg10 : memref<80x128xf32, #tpu.memory_space<vmem>>) dst(%dma_wait3A_320 : memref<10240x128xf32, #tpu.memory_space<vmem_shared>>)
    %add3A_321 = arith.constant 480 : i32
    %add3A_322 = arith.addi %mul3A_2, %add3A_321 : i32
    %iota3A_323 = tpu.iota {dimensions = array<i32: 0>} : vector<16xi32>
    %add3A_324 = arith.constant 0 : i32
    %add3A_325 = arith.addi %add3A_322, %add3A_324 : i32
    %add3A_326 = vector.broadcast %add3A_325 : i32 to vector<16xi32>
    %add3A_327 = arith.addi %iota3A_323, %add3A_326 : vector<16xi32>
    %swap3A_328 = arith.constant 0 : index
    %swap3A_329 = tpu.vector_load %arg12[%swap3A_328] {strides = array<i32>} : memref<80xi32, #tpu.memory_space<vmem>>, vector<16xi32>,
    %swap3A_330 = vector.shape_cast %swap3A_329 : vector<16xi32> to vector<16xi32>
    %swap3A_331 = vector.shape_cast %add3A_327 : vector<16xi32> to vector<16xi32>
    tpu.vector_store %arg12[%swap3A_328], %swap3A_331 {strides = array<i32>} : memref<80xi32, #tpu.memory_space<vmem>>, vector<16xi32>,
    %iota3A_332 = tpu.iota {dimensions = array<i32: 0>} : vector<16xi32>
    %add3A_333 = arith.constant 16 : i32
    %add3A_334 = arith.addi %add3A_322, %add3A_333 : i32
    %add3A_335 = vector.broadcast %add3A_334 : i32 to vector<16xi32>
    %add3A_336 = arith.addi %iota3A_332, %add3A_335 : vector<16xi32>
    %swap3A_337 = arith.constant 16 : index
    %swap3A_338 = tpu.vector_load %arg12[%swap3A_337] {strides = array<i32>} : memref<80xi32, #tpu.memory_space<vmem>>, vector<16xi32>,
    %swap3A_339 = vector.shape_cast %swap3A_338 : vector<16xi32> to vector<16xi32>
    %swap3A_340 = vector.shape_cast %add3A_336 : vector<16xi32> to vector<16xi32>
    tpu.vector_store %arg12[%swap3A_337], %swap3A_340 {strides = array<i32>} : memref<80xi32, #tpu.memory_space<vmem>>, vector<16xi32>,
    %iota3A_341 = tpu.iota {dimensions = array<i32: 0>} : vector<16xi32>
    %add3A_342 = arith.constant 32 : i32
    %add3A_343 = arith.addi %add3A_322, %add3A_342 : i32
    %add3A_344 = vector.broadcast %add3A_343 : i32 to vector<16xi32>
    %add3A_345 = arith.addi %iota3A_341, %add3A_344 : vector<16xi32>
    %swap3A_346 = arith.constant 32 : index
    %swap3A_347 = tpu.vector_load %arg12[%swap3A_346] {strides = array<i32>} : memref<80xi32, #tpu.memory_space<vmem>>, vector<16xi32>,
    %swap3A_348 = vector.shape_cast %swap3A_347 : vector<16xi32> to vector<16xi32>
    %swap3A_349 = vector.shape_cast %add3A_345 : vector<16xi32> to vector<16xi32>
    tpu.vector_store %arg12[%swap3A_346], %swap3A_349 {strides = array<i32>} : memref<80xi32, #tpu.memory_space<vmem>>, vector<16xi32>,
    %iota3A_350 = tpu.iota {dimensions = array<i32: 0>} : vector<16xi32>
    %add3A_351 = arith.constant 48 : i32
    %add3A_352 = arith.addi %add3A_322, %add3A_351 : i32
    %add3A_353 = vector.broadcast %add3A_352 : i32 to vector<16xi32>
    %add3A_354 = arith.addi %iota3A_350, %add3A_353 : vector<16xi32>
    %swap3A_355 = arith.constant 48 : index
    %swap3A_356 = tpu.vector_load %arg12[%swap3A_355] {strides = array<i32>} : memref<80xi32, #tpu.memory_space<vmem>>, vector<16xi32>,
    %swap3A_357 = vector.shape_cast %swap3A_356 : vector<16xi32> to vector<16xi32>
    %swap3A_358 = vector.shape_cast %add3A_354 : vector<16xi32> to vector<16xi32>
    tpu.vector_store %arg12[%swap3A_355], %swap3A_358 {strides = array<i32>} : memref<80xi32, #tpu.memory_space<vmem>>, vector<16xi32>,
    %iota3A_359 = tpu.iota {dimensions = array<i32: 0>} : vector<16xi32>
    %add3A_360 = arith.constant 64 : i32
    %add3A_361 = arith.addi %add3A_322, %add3A_360 : i32
    %add3A_362 = vector.broadcast %add3A_361 : i32 to vector<16xi32>
    %add3A_363 = arith.addi %iota3A_359, %add3A_362 : vector<16xi32>
    %swap3A_364 = arith.constant 64 : index
    %swap3A_365 = tpu.vector_load %arg12[%swap3A_364] {strides = array<i32>} : memref<80xi32, #tpu.memory_space<vmem>>, vector<16xi32>,
    %swap3A_366 = vector.shape_cast %swap3A_365 : vector<16xi32> to vector<16xi32>
    %swap3A_367 = vector.shape_cast %add3A_363 : vector<16xi32> to vector<16xi32>
    tpu.vector_store %arg12[%swap3A_364], %swap3A_367 {strides = array<i32>} : memref<80xi32, #tpu.memory_space<vmem>>, vector<16xi32>,
    %dma_start3A_368 = arith.constant 0 : i32
    %dma_start3A_369 = arith.constant 0 : i32
    %dma_start3A_370 = tpu.memref_slice %arg13[%dma_start3A_368, %dma_start3A_369] : memref<10240x128xf32, #tpu.memory_space<vmem_shared>> -> memref<10240x128xf32, #tpu.memory_space<vmem_shared>>
    tpu.enqueue_indirect_dma source(%arg10 : memref<80x128xf32, #tpu.memory_space<vmem>>) target(%dma_start3A_370 : memref<10240x128xf32, #tpu.memory_space<vmem_shared>>) offsets(%arg12 : memref<80xi32, #tpu.memory_space<vmem>>) semaphore(%arg16 : memref<!tpu.dma_semaphore, #tpu.memory_space<semaphore_mem>>)
    %dma_wait3A_371 = arith.constant 0 : i32
    %dma_wait3A_372 = arith.constant 0 : i32
    %dma_wait3A_373 = tpu.memref_slice %arg13[%dma_wait3A_371, %dma_wait3A_372] : memref<10240x128xf32, #tpu.memory_space<vmem_shared>> -> memref<10240x128xf32, #tpu.memory_space<vmem_shared>>
    tpu.wait_indirect_dma semaphore(%arg16 : memref<!tpu.dma_semaphore, #tpu.memory_space<semaphore_mem>>) src(%arg10 : memref<80x128xf32, #tpu.memory_space<vmem>>) dst(%dma_wait3A_373 : memref<10240x128xf32, #tpu.memory_space<vmem_shared>>)
    %add3A_374 = arith.constant 560 : i32
    %add3A_375 = arith.addi %mul3A_2, %add3A_374 : i32
    %iota3A_376 = tpu.iota {dimensions = array<i32: 0>} : vector<16xi32>
    %add3A_377 = arith.constant 0 : i32
    %add3A_378 = arith.addi %add3A_375, %add3A_377 : i32
    %add3A_379 = vector.broadcast %add3A_378 : i32 to vector<16xi32>
    %add3A_380 = arith.addi %iota3A_376, %add3A_379 : vector<16xi32>
    %swap3A_381 = arith.constant 0 : index
    %swap3A_382 = tpu.vector_load %arg8[%swap3A_381] {strides = array<i32>} : memref<80xi32, #tpu.memory_space<vmem>>, vector<16xi32>,
    %swap3A_383 = vector.shape_cast %swap3A_382 : vector<16xi32> to vector<16xi32>
    %swap3A_384 = vector.shape_cast %add3A_380 : vector<16xi32> to vector<16xi32>
    tpu.vector_store %arg8[%swap3A_381], %swap3A_384 {strides = array<i32>} : memref<80xi32, #tpu.memory_space<vmem>>, vector<16xi32>,
    %iota3A_385 = tpu.iota {dimensions = array<i32: 0>} : vector<16xi32>
    %add3A_386 = arith.constant 16 : i32
    %add3A_387 = arith.addi %add3A_375, %add3A_386 : i32
    %add3A_388 = vector.broadcast %add3A_387 : i32 to vector<16xi32>
    %add3A_389 = arith.addi %iota3A_385, %add3A_388 : vector<16xi32>
    %swap3A_390 = arith.constant 16 : index
    %swap3A_391 = tpu.vector_load %arg8[%swap3A_390] {strides = array<i32>} : memref<80xi32, #tpu.memory_space<vmem>>, vector<16xi32>,
    %swap3A_392 = vector.shape_cast %swap3A_391 : vector<16xi32> to vector<16xi32>
    %swap3A_393 = vector.shape_cast %add3A_389 : vector<16xi32> to vector<16xi32>
    tpu.vector_store %arg8[%swap3A_390], %swap3A_393 {strides = array<i32>} : memref<80xi32, #tpu.memory_space<vmem>>, vector<16xi32>,
    %iota3A_394 = tpu.iota {dimensions = array<i32: 0>} : vector<16xi32>
    %add3A_395 = arith.constant 32 : i32
    %add3A_396 = arith.addi %add3A_375, %add3A_395 : i32
    %add3A_397 = vector.broadcast %add3A_396 : i32 to vector<16xi32>
    %add3A_398 = arith.addi %iota3A_394, %add3A_397 : vector<16xi32>
    %swap3A_399 = arith.constant 32 : index
    %swap3A_400 = tpu.vector_load %arg8[%swap3A_399] {strides = array<i32>} : memref<80xi32, #tpu.memory_space<vmem>>, vector<16xi32>,
    %swap3A_401 = vector.shape_cast %swap3A_400 : vector<16xi32> to vector<16xi32>
    %swap3A_402 = vector.shape_cast %add3A_398 : vector<16xi32> to vector<16xi32>
    tpu.vector_store %arg8[%swap3A_399], %swap3A_402 {strides = array<i32>} : memref<80xi32, #tpu.memory_space<vmem>>, vector<16xi32>,
    %iota3A_403 = tpu.iota {dimensions = array<i32: 0>} : vector<16xi32>
    %add3A_404 = arith.constant 48 : i32
    %add3A_405 = arith.addi %add3A_375, %add3A_404 : i32
    %add3A_406 = vector.broadcast %add3A_405 : i32 to vector<16xi32>
    %add3A_407 = arith.addi %iota3A_403, %add3A_406 : vector<16xi32>
    %swap3A_408 = arith.constant 48 : index
    %swap3A_409 = tpu.vector_load %arg8[%swap3A_408] {strides = array<i32>} : memref<80xi32, #tpu.memory_space<vmem>>, vector<16xi32>,
    %swap3A_410 = vector.shape_cast %swap3A_409 : vector<16xi32> to vector<16xi32>
    %swap3A_411 = vector.shape_cast %add3A_407 : vector<16xi32> to vector<16xi32>
    tpu.vector_store %arg8[%swap3A_408], %swap3A_411 {strides = array<i32>} : memref<80xi32, #tpu.memory_space<vmem>>, vector<16xi32>,
    %iota3A_412 = tpu.iota {dimensions = array<i32: 0>} : vector<16xi32>
    %add3A_413 = arith.constant 64 : i32
    %add3A_414 = arith.addi %add3A_375, %add3A_413 : i32
    %add3A_415 = vector.broadcast %add3A_414 : i32 to vector<16xi32>
    %add3A_416 = arith.addi %iota3A_412, %add3A_415 : vector<16xi32>
    %swap3A_417 = arith.constant 64 : index
    %swap3A_418 = tpu.vector_load %arg8[%swap3A_417] {strides = array<i32>} : memref<80xi32, #tpu.memory_space<vmem>>, vector<16xi32>,
    %swap3A_419 = vector.shape_cast %swap3A_418 : vector<16xi32> to vector<16xi32>
    %swap3A_420 = vector.shape_cast %add3A_416 : vector<16xi32> to vector<16xi32>
    tpu.vector_store %arg8[%swap3A_417], %swap3A_420 {strides = array<i32>} : memref<80xi32, #tpu.memory_space<vmem>>, vector<16xi32>,
    %dma_start3A_421 = arith.constant 0 : i32
    %dma_start3A_422 = arith.constant 0 : i32
    %dma_start3A_423 = tpu.memref_slice %arg13[%dma_start3A_421, %dma_start3A_422] : memref<10240x128xf32, #tpu.memory_space<vmem_shared>> -> memref<10240x128xf32, #tpu.memory_space<vmem_shared>>
    tpu.enqueue_indirect_dma source(%arg10 : memref<80x128xf32, #tpu.memory_space<vmem>>) target(%dma_start3A_423 : memref<10240x128xf32, #tpu.memory_space<vmem_shared>>) offsets(%arg8 : memref<80xi32, #tpu.memory_space<vmem>>) semaphore(%arg16 : memref<!tpu.dma_semaphore, #tpu.memory_space<semaphore_mem>>)
    %dma_wait3A_424 = arith.constant 0 : i32
    %dma_wait3A_425 = arith.constant 0 : i32
    %dma_wait3A_426 = tpu.memref_slice %arg13[%dma_wait3A_424, %dma_wait3A_425] : memref<10240x128xf32, #tpu.memory_space<vmem_shared>> -> memref<10240x128xf32, #tpu.memory_space<vmem_shared>>
    tpu.wait_indirect_dma semaphore(%arg16 : memref<!tpu.dma_semaphore, #tpu.memory_space<semaphore_mem>>) src(%arg10 : memref<80x128xf32, #tpu.memory_space<vmem>>) dst(%dma_wait3A_426 : memref<10240x128xf32, #tpu.memory_space<vmem_shared>>)
    %dma_wait3A_427 = arith.constant 0 : i32
    %dma_wait3A_428 = arith.constant 0 : i32
    %dma_wait3A_429 = tpu.memref_slice %arg13[%dma_wait3A_427, %dma_wait3A_428] : memref<10240x128xf32, #tpu.memory_space<vmem_shared>> -> memref<10240x128xf32, #tpu.memory_space<vmem_shared>>
    tpu.wait_indirect_dma semaphore(%arg16 : memref<!tpu.dma_semaphore, #tpu.memory_space<semaphore_mem>>) src(%arg10 : memref<80x128xf32, #tpu.memory_space<vmem>>) dst(%dma_wait3A_429 : memref<10240x128xf32, #tpu.memory_space<vmem_shared>>)
    %barrier3A = arith.constant 0 : index
    tpu.barrier barrier_id(%barrier3A)
    "tpu.region"() ({
      %run_scoped3A = tpu.sem_alloc : memref<!tpu.dma_semaphore, #tpu.memory_space<semaphore_mem>>
      %dma_start3A_1010 = tpu.memref_slice %arg3[%mul3A_4] : memref<320000xi32, #tpu.memory_space<hbm>> -> memref<80xi32, #tpu.memory_space<hbm>>
      %dma_start3A_1011 = tpu.memref_slice %arg3[%mul3A_4] : memref<320000xi32, #tpu.memory_space<hbm>> -> memref<80xi32, #tpu.memory_space<hbm>>
      tpu.enqueue_dma source(%dma_start3A_1011 : memref<80xi32, #tpu.memory_space<hbm>>) target(%arg6 : memref<80xi32, #tpu.memory_space<vmem>>) target_semaphore(%run_scoped3A : memref<!tpu.dma_semaphore, #tpu.memory_space<semaphore_mem>>)
      %dma_wait3A_1012 = tpu.memref_slice %arg3[%mul3A_4] : memref<320000xi32, #tpu.memory_space<hbm>> -> memref<80xi32, #tpu.memory_space<hbm>>
      %dma_wait3A_1013 = tpu.memref_slice %arg3[%mul3A_4] : memref<320000xi32, #tpu.memory_space<hbm>> -> memref<80xi32, #tpu.memory_space<hbm>>
      tpu.wait_dma2 semaphore(%run_scoped3A : memref<!tpu.dma_semaphore, #tpu.memory_space<semaphore_mem>>) src(%dma_wait3A_1013 : memref<80xi32, #tpu.memory_space<hbm>>) dst(%arg6 : memref<80xi32, #tpu.memory_space<vmem>>)
      tpu.yield
    }) : () -> ()
    "tpu.region"() ({
      %run_scoped3A = tpu.sem_alloc : memref<!tpu.dma_semaphore, #tpu.memory_space<semaphore_mem>>
      %dma_start3A_1010 = tpu.memref_slice %arg4[%mul3A_4] : memref<320000xi32, #tpu.memory_space<hbm>> -> memref<80xi32, #tpu.memory_space<hbm>>
      %dma_start3A_1011 = tpu.memref_slice %arg4[%mul3A_4] : memref<320000xi32, #tpu.memory_space<hbm>> -> memref<80xi32, #tpu.memory_space<hbm>>
      tpu.enqueue_dma source(%dma_start3A_1011 : memref<80xi32, #tpu.memory_space<hbm>>) target(%arg7 : memref<80xi32, #tpu.memory_space<vmem>>) target_semaphore(%run_scoped3A : memref<!tpu.dma_semaphore, #tpu.memory_space<semaphore_mem>>)
      %dma_wait3A_1012 = tpu.memref_slice %arg4[%mul3A_4] : memref<320000xi32, #tpu.memory_space<hbm>> -> memref<80xi32, #tpu.memory_space<hbm>>
      %dma_wait3A_1013 = tpu.memref_slice %arg4[%mul3A_4] : memref<320000xi32, #tpu.memory_space<hbm>> -> memref<80xi32, #tpu.memory_space<hbm>>
      tpu.wait_dma2 semaphore(%run_scoped3A : memref<!tpu.dma_semaphore, #tpu.memory_space<semaphore_mem>>) src(%dma_wait3A_1013 : memref<80xi32, #tpu.memory_space<hbm>>) dst(%arg7 : memref<80xi32, #tpu.memory_space<vmem>>)
      tpu.yield
    }) : () -> ()
    %add3A_430 = arith.constant 80 : i32
    %add3A_431 = arith.addi %mul3A_4, %add3A_430 : i32
    %min3A = arith.constant 319920 : i32
    %min3A_432 = arith.minsi %add3A_431, %min3A : i32
    %dma_start3A_433 = tpu.memref_slice %arg3[%min3A_432] : memref<320000xi32, #tpu.memory_space<hbm>> -> memref<80xi32, #tpu.memory_space<hbm>>
    %dma_start3A_434 = tpu.memref_slice %arg3[%min3A_432] : memref<320000xi32, #tpu.memory_space<hbm>> -> memref<80xi32, #tpu.memory_space<hbm>>
    tpu.enqueue_dma source(%dma_start3A_434 : memref<80xi32, #tpu.memory_space<hbm>>) target(%arg8 : memref<80xi32, #tpu.memory_space<vmem>>) target_semaphore(%arg17 : memref<!tpu.dma_semaphore, #tpu.memory_space<semaphore_mem>>)
    %dma_start3A_435 = tpu.memref_slice %arg4[%min3A_432] : memref<320000xi32, #tpu.memory_space<hbm>> -> memref<80xi32, #tpu.memory_space<hbm>>
    %dma_start3A_436 = tpu.memref_slice %arg4[%min3A_432] : memref<320000xi32, #tpu.memory_space<hbm>> -> memref<80xi32, #tpu.memory_space<hbm>>
    tpu.enqueue_dma source(%dma_start3A_436 : memref<80xi32, #tpu.memory_space<hbm>>) target(%arg9 : memref<80xi32, #tpu.memory_space<vmem>>) target_semaphore(%arg17 : memref<!tpu.dma_semaphore, #tpu.memory_space<semaphore_mem>>)
    %dma_start3A_437 = arith.constant 0 : i32
    %dma_start3A_438 = arith.constant 0 : i32
    %dma_start3A_439 = tpu.memref_slice %arg2[%dma_start3A_437, %dma_start3A_438] : memref<10000x128xf32, #tpu.memory_space<hbm>> -> memref<10000x128xf32, #tpu.memory_space<hbm>>
    tpu.enqueue_indirect_dma source(%dma_start3A_439 : memref<10000x128xf32, #tpu.memory_space<hbm>>) target(%arg10 : memref<80x128xf32, #tpu.memory_space<vmem>>) offsets(%arg6 : memref<80xi32, #tpu.memory_space<vmem>>) semaphore(%arg14 : memref<!tpu.dma_semaphore, #tpu.memory_space<semaphore_mem>>)
    %scan3A_440 = arith.constant 0 : i32
    %scan3A_441 = arith.constant 0 : i32
    %scan3A_442 = arith.constant 124 : i32
    %scan3A_443 = arith.addi %scan3A_441, %scan3A_442 : i32
    %scan3A_444 = arith.constant 1 : i32
    scf.for %scan3A_1010 = %scan3A_441 to %scan3A_443 step %scan3A_444  : i32 {
      %jit3A = arith.constant 2 : i32
      %eq3A = arith.constant 0 : i32
      %eq3A_1011 = arith.cmpi eq, %jit3A, %eq3A : i32
      %jit3A_1012 = arith.constant 1 : i32
      %select_n3A = arith.select %eq3A_1011, %jit3A_1012, %jit3A : i32
      %rem3A = arith.remsi %scan3A_1010, %select_n3A : i32
      %ne3A = arith.constant 0 : i32
      %ne3A_1013 = arith.cmpi ne, %rem3A, %ne3A : i32
      %lt3A = arith.constant 0 : i32
      %lt3A_1014 = arith.cmpi slt, %rem3A, %lt3A : i32
      %lt3A_1015 = arith.constant 0 : i32
      %lt3A_1016 = arith.cmpi slt, %select_n3A, %lt3A_1015 : i32
      %ne3A_1017 = arith.xori %lt3A_1014, %lt3A_1016 : i1
      %and3A = arith.andi %ne3A_1017, %ne3A_1013 : i1
      %add3A_1018 = arith.addi %rem3A, %select_n3A : i32
      %select_n3A_1019 = arith.select %and3A, %add3A_1018, %rem3A : i32
      %eq3A_1020 = arith.constant 0 : i32
      %eq3A_1021 = arith.cmpi eq, %select_n3A_1019, %eq3A_1020 : i32
      %convert_element_type3A = arith.extui %eq3A_1021 : i1 to i32
      %cond3A = arith.constant 0 : i32
      %cond3A_1022 = arith.cmpi ne, %convert_element_type3A, %cond3A : i32
      scf.if %cond3A_1022 {
        %dma_wait3A_1044 = arith.constant 0 : i32
        %dma_wait3A_1045 = tpu.memref_slice %arg3[%dma_wait3A_1044] : memref<320000xi32, #tpu.memory_space<hbm>> -> memref<80xi32, #tpu.memory_space<hbm>>
        %dma_wait3A_1046 = arith.constant 0 : i32
        %dma_wait3A_1047 = tpu.memref_slice %arg3[%dma_wait3A_1046] : memref<320000xi32, #tpu.memory_space<hbm>> -> memref<80xi32, #tpu.memory_space<hbm>>
        tpu.wait_dma2 semaphore(%arg17 : memref<!tpu.dma_semaphore, #tpu.memory_space<semaphore_mem>>) src(%dma_wait3A_1047 : memref<80xi32, #tpu.memory_space<hbm>>) dst(%arg8 : memref<80xi32, #tpu.memory_space<vmem>>)
        %dma_wait3A_1048 = arith.constant 0 : i32
        %dma_wait3A_1049 = tpu.memref_slice %arg4[%dma_wait3A_1048] : memref<320000xi32, #tpu.memory_space<hbm>> -> memref<80xi32, #tpu.memory_space<hbm>>
        %dma_wait3A_1050 = arith.constant 0 : i32
        %dma_wait3A_1051 = tpu.memref_slice %arg4[%dma_wait3A_1050] : memref<320000xi32, #tpu.memory_space<hbm>> -> memref<80xi32, #tpu.memory_space<hbm>>
        tpu.wait_dma2 semaphore(%arg17 : memref<!tpu.dma_semaphore, #tpu.memory_space<semaphore_mem>>) src(%dma_wait3A_1051 : memref<80xi32, #tpu.memory_space<hbm>>) dst(%arg9 : memref<80xi32, #tpu.memory_space<vmem>>)
        %dma_start3A_1052 = arith.constant 0 : i32
        %dma_start3A_1053 = arith.constant 0 : i32
        %dma_start3A_1054 = tpu.memref_slice %arg2[%dma_start3A_1052, %dma_start3A_1053] : memref<10000x128xf32, #tpu.memory_space<hbm>> -> memref<10000x128xf32, #tpu.memory_space<hbm>>
        tpu.enqueue_indirect_dma source(%dma_start3A_1054 : memref<10000x128xf32, #tpu.memory_space<hbm>>) target(%arg11 : memref<80x128xf32, #tpu.memory_space<vmem>>) offsets(%arg8 : memref<80xi32, #tpu.memory_space<vmem>>) semaphore(%arg15 : memref<!tpu.dma_semaphore, #tpu.memory_space<semaphore_mem>>)
        %dma_wait3A_1055 = arith.constant 0 : i32
        %dma_wait3A_1056 = arith.constant 0 : i32
        %dma_wait3A_1057 = tpu.memref_slice %arg2[%dma_wait3A_1055, %dma_wait3A_1056] : memref<10000x128xf32, #tpu.memory_space<hbm>> -> memref<10000x128xf32, #tpu.memory_space<hbm>>
        tpu.wait_indirect_dma semaphore(%arg14 : memref<!tpu.dma_semaphore, #tpu.memory_space<semaphore_mem>>) src(%dma_wait3A_1057 : memref<10000x128xf32, #tpu.memory_space<hbm>>) dst(%arg10 : memref<80x128xf32, #tpu.memory_space<vmem>>)
        "tpu.region"() ({
          %run_scoped3A = tpu.sem_alloc : memref<!tpu.dma_semaphore, #tpu.memory_space<semaphore_mem>>
          %dma_start3A_1069 = arith.constant 0 : i32
          %dma_start3A_1070 = arith.constant 0 : i32
          %dma_start3A_1071 = tpu.memref_slice %arg13[%dma_start3A_1069, %dma_start3A_1070] : memref<10240x128xf32, #tpu.memory_space<vmem_shared>> -> memref<10240x128xf32, #tpu.memory_space<vmem_shared>>
          tpu.enqueue_indirect_dma source(%arg10 : memref<80x128xf32, #tpu.memory_space<vmem>>) target(%dma_start3A_1071 : memref<10240x128xf32, #tpu.memory_space<vmem_shared>>) offsets(%arg7 : memref<80xi32, #tpu.memory_space<vmem>>) semaphore(%run_scoped3A : memref<!tpu.dma_semaphore, #tpu.memory_space<semaphore_mem>>) {add = true}
          %dma_wait3A_1072 = arith.constant 0 : i32
          %dma_wait3A_1073 = arith.constant 0 : i32
          %dma_wait3A_1074 = tpu.memref_slice %arg13[%dma_wait3A_1072, %dma_wait3A_1073] : memref<10240x128xf32, #tpu.memory_space<vmem_shared>> -> memref<10240x128xf32, #tpu.memory_space<vmem_shared>>
          tpu.wait_indirect_dma semaphore(%run_scoped3A : memref<!tpu.dma_semaphore, #tpu.memory_space<semaphore_mem>>) src(%arg10 : memref<80x128xf32, #tpu.memory_space<vmem>>) dst(%dma_wait3A_1074 : memref<10240x128xf32, #tpu.memory_space<vmem_shared>>)
          tpu.yield
        }) : () -> ()
        %add3A_1058 = arith.constant 2 : i32
        %add3A_1059 = arith.addi %scan3A_1010, %add3A_1058 : i32
        %mul3A_1060 = arith.constant 80 : i32
        %mul3A_1061 = arith.muli %add3A_1059, %mul3A_1060 : i32
        %add3A_1062 = arith.addi %mul3A_4, %mul3A_1061 : i32
        %min3A_1063 = arith.constant 319920 : i32
        %min3A_1064 = arith.minsi %add3A_1062, %min3A_1063 : i32
        %dma_start3A_1065 = tpu.memref_slice %arg3[%min3A_1064] : memref<320000xi32, #tpu.memory_space<hbm>> -> memref<80xi32, #tpu.memory_space<hbm>>
        %dma_start3A_1066 = tpu.memref_slice %arg3[%min3A_1064] : memref<320000xi32, #tpu.memory_space<hbm>> -> memref<80xi32, #tpu.memory_space<hbm>>
        tpu.enqueue_dma source(%dma_start3A_1066 : memref<80xi32, #tpu.memory_space<hbm>>) target(%arg6 : memref<80xi32, #tpu.memory_space<vmem>>) target_semaphore(%arg16 : memref<!tpu.dma_semaphore, #tpu.memory_space<semaphore_mem>>)
        %dma_start3A_1067 = tpu.memref_slice %arg4[%min3A_1064] : memref<320000xi32, #tpu.memory_space<hbm>> -> memref<80xi32, #tpu.memory_space<hbm>>
        %dma_start3A_1068 = tpu.memref_slice %arg4[%min3A_1064] : memref<320000xi32, #tpu.memory_space<hbm>> -> memref<80xi32, #tpu.memory_space<hbm>>
        tpu.enqueue_dma source(%dma_start3A_1068 : memref<80xi32, #tpu.memory_space<hbm>>) target(%arg7 : memref<80xi32, #tpu.memory_space<vmem>>) target_semaphore(%arg16 : memref<!tpu.dma_semaphore, #tpu.memory_space<semaphore_mem>>)
      } else {
      }
      %jit3A_1023 = arith.constant 2 : i32
      %eq3A_1024 = arith.constant 0 : i32
      %eq3A_1025 = arith.cmpi eq, %jit3A_1023, %eq3A_1024 : i32
      %jit3A_1026 = arith.constant 1 : i32
      %select_n3A_1027 = arith.select %eq3A_1025, %jit3A_1026, %jit3A_1023 : i32
      %rem3A_1028 = arith.remsi %scan3A_1010, %select_n3A_1027 : i32
      %ne3A_1029 = arith.constant 0 : i32
      %ne3A_1030 = arith.cmpi ne, %rem3A_1028, %ne3A_1029 : i32
      %lt3A_1031 = arith.constant 0 : i32
      %lt3A_1032 = arith.cmpi slt, %rem3A_1028, %lt3A_1031 : i32
      %lt3A_1033 = arith.constant 0 : i32
      %lt3A_1034 = arith.cmpi slt, %select_n3A_1027, %lt3A_1033 : i32
      %ne3A_1035 = arith.xori %lt3A_1032, %lt3A_1034 : i1
      %and3A_1036 = arith.andi %ne3A_1035, %ne3A_1030 : i1
      %add3A_1037 = arith.addi %rem3A_1028, %select_n3A_1027 : i32
      %select_n3A_1038 = arith.select %and3A_1036, %add3A_1037, %rem3A_1028 : i32
      %eq3A_1039 = arith.constant 1 : i32
      %eq3A_1040 = arith.cmpi eq, %select_n3A_1038, %eq3A_1039 : i32
      %convert_element_type3A_1041 = arith.extui %eq3A_1040 : i1 to i32
      %cond3A_1042 = arith.constant 0 : i32
      %cond3A_1043 = arith.cmpi ne, %convert_element_type3A_1041, %cond3A_1042 : i32
      scf.if %cond3A_1043 {
        %dma_wait3A_1044 = arith.constant 0 : i32
        %dma_wait3A_1045 = tpu.memref_slice %arg3[%dma_wait3A_1044] : memref<320000xi32, #tpu.memory_space<hbm>> -> memref<80xi32, #tpu.memory_space<hbm>>
        %dma_wait3A_1046 = arith.constant 0 : i32
        %dma_wait3A_1047 = tpu.memref_slice %arg3[%dma_wait3A_1046] : memref<320000xi32, #tpu.memory_space<hbm>> -> memref<80xi32, #tpu.memory_space<hbm>>
        tpu.wait_dma2 semaphore(%arg16 : memref<!tpu.dma_semaphore, #tpu.memory_space<semaphore_mem>>) src(%dma_wait3A_1047 : memref<80xi32, #tpu.memory_space<hbm>>) dst(%arg6 : memref<80xi32, #tpu.memory_space<vmem>>)
        %dma_wait3A_1048 = arith.constant 0 : i32
        %dma_wait3A_1049 = tpu.memref_slice %arg4[%dma_wait3A_1048] : memref<320000xi32, #tpu.memory_space<hbm>> -> memref<80xi32, #tpu.memory_space<hbm>>
        %dma_wait3A_1050 = arith.constant 0 : i32
        %dma_wait3A_1051 = tpu.memref_slice %arg4[%dma_wait3A_1050] : memref<320000xi32, #tpu.memory_space<hbm>> -> memref<80xi32, #tpu.memory_space<hbm>>
        tpu.wait_dma2 semaphore(%arg16 : memref<!tpu.dma_semaphore, #tpu.memory_space<semaphore_mem>>) src(%dma_wait3A_1051 : memref<80xi32, #tpu.memory_space<hbm>>) dst(%arg7 : memref<80xi32, #tpu.memory_space<vmem>>)
        %dma_start3A_1052 = arith.constant 0 : i32
        %dma_start3A_1053 = arith.constant 0 : i32
        %dma_start3A_1054 = tpu.memref_slice %arg2[%dma_start3A_1052, %dma_start3A_1053] : memref<10000x128xf32, #tpu.memory_space<hbm>> -> memref<10000x128xf32, #tpu.memory_space<hbm>>
        tpu.enqueue_indirect_dma source(%dma_start3A_1054 : memref<10000x128xf32, #tpu.memory_space<hbm>>) target(%arg10 : memref<80x128xf32, #tpu.memory_space<vmem>>) offsets(%arg6 : memref<80xi32, #tpu.memory_space<vmem>>) semaphore(%arg14 : memref<!tpu.dma_semaphore, #tpu.memory_space<semaphore_mem>>)
        %dma_wait3A_1055 = arith.constant 0 : i32
        %dma_wait3A_1056 = arith.constant 0 : i32
        %dma_wait3A_1057 = tpu.memref_slice %arg2[%dma_wait3A_1055, %dma_wait3A_1056] : memref<10000x128xf32, #tpu.memory_space<hbm>> -> memref<10000x128xf32, #tpu.memory_space<hbm>>
        tpu.wait_indirect_dma semaphore(%arg15 : memref<!tpu.dma_semaphore, #tpu.memory_space<semaphore_mem>>) src(%dma_wait3A_1057 : memref<10000x128xf32, #tpu.memory_space<hbm>>) dst(%arg11 : memref<80x128xf32, #tpu.memory_space<vmem>>)
        "tpu.region"() ({
          %run_scoped3A = tpu.sem_alloc : memref<!tpu.dma_semaphore, #tpu.memory_space<semaphore_mem>>
          %dma_start3A_1069 = arith.constant 0 : i32
          %dma_start3A_1070 = arith.constant 0 : i32
          %dma_start3A_1071 = tpu.memref_slice %arg13[%dma_start3A_1069, %dma_start3A_1070] : memref<10240x128xf32, #tpu.memory_space<vmem_shared>> -> memref<10240x128xf32, #tpu.memory_space<vmem_shared>>
          tpu.enqueue_indirect_dma source(%arg11 : memref<80x128xf32, #tpu.memory_space<vmem>>) target(%dma_start3A_1071 : memref<10240x128xf32, #tpu.memory_space<vmem_shared>>) offsets(%arg9 : memref<80xi32, #tpu.memory_space<vmem>>) semaphore(%run_scoped3A : memref<!tpu.dma_semaphore, #tpu.memory_space<semaphore_mem>>) {add = true}
          %dma_wait3A_1072 = arith.constant 0 : i32
          %dma_wait3A_1073 = arith.constant 0 : i32
          %dma_wait3A_1074 = tpu.memref_slice %arg13[%dma_wait3A_1072, %dma_wait3A_1073] : memref<10240x128xf32, #tpu.memory_space<vmem_shared>> -> memref<10240x128xf32, #tpu.memory_space<vmem_shared>>
          tpu.wait_indirect_dma semaphore(%run_scoped3A : memref<!tpu.dma_semaphore, #tpu.memory_space<semaphore_mem>>) src(%arg11 : memref<80x128xf32, #tpu.memory_space<vmem>>) dst(%dma_wait3A_1074 : memref<10240x128xf32, #tpu.memory_space<vmem_shared>>)
          tpu.yield
        }) : () -> ()
        %add3A_1058 = arith.constant 2 : i32
        %add3A_1059 = arith.addi %scan3A_1010, %add3A_1058 : i32
        %mul3A_1060 = arith.constant 80 : i32
        %mul3A_1061 = arith.muli %add3A_1059, %mul3A_1060 : i32
        %add3A_1062 = arith.addi %mul3A_4, %mul3A_1061 : i32
        %min3A_1063 = arith.constant 319920 : i32
        %min3A_1064 = arith.minsi %add3A_1062, %min3A_1063 : i32
        %dma_start3A_1065 = tpu.memref_slice %arg3[%min3A_1064] : memref<320000xi32, #tpu.memory_space<hbm>> -> memref<80xi32, #tpu.memory_space<hbm>>
        %dma_start3A_1066 = tpu.memref_slice %arg3[%min3A_1064] : memref<320000xi32, #tpu.memory_space<hbm>> -> memref<80xi32, #tpu.memory_space<hbm>>
        tpu.enqueue_dma source(%dma_start3A_1066 : memref<80xi32, #tpu.memory_space<hbm>>) target(%arg8 : memref<80xi32, #tpu.memory_space<vmem>>) target_semaphore(%arg17 : memref<!tpu.dma_semaphore, #tpu.memory_space<semaphore_mem>>)
        %dma_start3A_1067 = tpu.memref_slice %arg4[%min3A_1064] : memref<320000xi32, #tpu.memory_space<hbm>> -> memref<80xi32, #tpu.memory_space<hbm>>
        %dma_start3A_1068 = tpu.memref_slice %arg4[%min3A_1064] : memref<320000xi32, #tpu.memory_space<hbm>> -> memref<80xi32, #tpu.memory_space<hbm>>
        tpu.enqueue_dma source(%dma_start3A_1068 : memref<80xi32, #tpu.memory_space<hbm>>) target(%arg9 : memref<80xi32, #tpu.memory_space<vmem>>) target_semaphore(%arg17 : memref<!tpu.dma_semaphore, #tpu.memory_space<semaphore_mem>>)
      } else {
      }
    }
    %scan3A_445 = arith.constant 124 : i32
    %dma_wait3A_446 = arith.constant 0 : i32
    %dma_wait3A_447 = arith.constant 0 : i32
    %dma_wait3A_448 = tpu.memref_slice %arg2[%dma_wait3A_446, %dma_wait3A_447] : memref<10000x128xf32, #tpu.memory_space<hbm>> -> memref<10000x128xf32, #tpu.memory_space<hbm>>
    tpu.wait_indirect_dma semaphore(%arg14 : memref<!tpu.dma_semaphore, #tpu.memory_space<semaphore_mem>>) src(%dma_wait3A_448 : memref<10000x128xf32, #tpu.memory_space<hbm>>) dst(%arg10 : memref<80x128xf32, #tpu.memory_space<vmem>>)
    "tpu.region"() ({
      %run_scoped3A = tpu.sem_alloc : memref<!tpu.dma_semaphore, #tpu.memory_space<semaphore_mem>>
      %dma_start3A_1010 = arith.constant 0 : i32
      %dma_start3A_1011 = arith.constant 0 : i32
      %dma_start3A_1012 = tpu.memref_slice %arg13[%dma_start3A_1010, %dma_start3A_1011] : memref<10240x128xf32, #tpu.memory_space<vmem_shared>> -> memref<10240x128xf32, #tpu.memory_space<vmem_shared>>
      tpu.enqueue_indirect_dma source(%arg10 : memref<80x128xf32, #tpu.memory_space<vmem>>) target(%dma_start3A_1012 : memref<10240x128xf32, #tpu.memory_space<vmem_shared>>) offsets(%arg7 : memref<80xi32, #tpu.memory_space<vmem>>) semaphore(%run_scoped3A : memref<!tpu.dma_semaphore, #tpu.memory_space<semaphore_mem>>) {add = true}
      %dma_wait3A_1013 = arith.constant 0 : i32
      %dma_wait3A_1014 = arith.constant 0 : i32
      %dma_wait3A_1015 = tpu.memref_slice %arg13[%dma_wait3A_1013, %dma_wait3A_1014] : memref<10240x128xf32, #tpu.memory_space<vmem_shared>> -> memref<10240x128xf32, #tpu.memory_space<vmem_shared>>
      tpu.wait_indirect_dma semaphore(%run_scoped3A : memref<!tpu.dma_semaphore, #tpu.memory_space<semaphore_mem>>) src(%arg10 : memref<80x128xf32, #tpu.memory_space<vmem>>) dst(%dma_wait3A_1015 : memref<10240x128xf32, #tpu.memory_space<vmem_shared>>)
      tpu.yield
    }) : () -> ()
    %dma_wait3A_449 = arith.constant 0 : i32
    %dma_wait3A_450 = tpu.memref_slice %arg3[%dma_wait3A_449] : memref<320000xi32, #tpu.memory_space<hbm>> -> memref<80xi32, #tpu.memory_space<hbm>>
    %dma_wait3A_451 = arith.constant 0 : i32
    %dma_wait3A_452 = tpu.memref_slice %arg3[%dma_wait3A_451] : memref<320000xi32, #tpu.memory_space<hbm>> -> memref<80xi32, #tpu.memory_space<hbm>>
    tpu.wait_dma2 semaphore(%arg17 : memref<!tpu.dma_semaphore, #tpu.memory_space<semaphore_mem>>) src(%dma_wait3A_452 : memref<80xi32, #tpu.memory_space<hbm>>) dst(%arg8 : memref<80xi32, #tpu.memory_space<vmem>>)
    %dma_wait3A_453 = arith.constant 0 : i32
    %dma_wait3A_454 = tpu.memref_slice %arg4[%dma_wait3A_453] : memref<320000xi32, #tpu.memory_space<hbm>> -> memref<80xi32, #tpu.memory_space<hbm>>
    %dma_wait3A_455 = arith.constant 0 : i32
    %dma_wait3A_456 = tpu.memref_slice %arg4[%dma_wait3A_455] : memref<320000xi32, #tpu.memory_space<hbm>> -> memref<80xi32, #tpu.memory_space<hbm>>
    tpu.wait_dma2 semaphore(%arg17 : memref<!tpu.dma_semaphore, #tpu.memory_space<semaphore_mem>>) src(%dma_wait3A_456 : memref<80xi32, #tpu.memory_space<hbm>>) dst(%arg9 : memref<80xi32, #tpu.memory_space<vmem>>)
    %barrier3A_457 = arith.constant 0 : index
    tpu.barrier barrier_id(%barrier3A_457)
    %add3A_458 = arith.constant 0 : i32
    %add3A_459 = arith.addi %mul3A_2, %add3A_458 : i32
    %iota3A_460 = tpu.iota {dimensions = array<i32: 0>} : vector<16xi32>
    %add3A_461 = arith.constant 0 : i32
    %add3A_462 = arith.addi %add3A_459, %add3A_461 : i32
    %add3A_463 = vector.broadcast %add3A_462 : i32 to vector<16xi32>
    %add3A_464 = arith.addi %iota3A_460, %add3A_463 : vector<16xi32>
    %swap3A_465 = arith.constant 0 : index
    %swap3A_466 = tpu.vector_load %arg12[%swap3A_465] {strides = array<i32>} : memref<80xi32, #tpu.memory_space<vmem>>, vector<16xi32>,
    %swap3A_467 = vector.shape_cast %swap3A_466 : vector<16xi32> to vector<16xi32>
    %swap3A_468 = vector.shape_cast %add3A_464 : vector<16xi32> to vector<16xi32>
    tpu.vector_store %arg12[%swap3A_465], %swap3A_468 {strides = array<i32>} : memref<80xi32, #tpu.memory_space<vmem>>, vector<16xi32>,
    %iota3A_469 = tpu.iota {dimensions = array<i32: 0>} : vector<16xi32>
    %add3A_470 = arith.constant 16 : i32
    %add3A_471 = arith.addi %add3A_459, %add3A_470 : i32
    %add3A_472 = vector.broadcast %add3A_471 : i32 to vector<16xi32>
    %add3A_473 = arith.addi %iota3A_469, %add3A_472 : vector<16xi32>
    %swap3A_474 = arith.constant 16 : index
    %swap3A_475 = tpu.vector_load %arg12[%swap3A_474] {strides = array<i32>} : memref<80xi32, #tpu.memory_space<vmem>>, vector<16xi32>,
    %swap3A_476 = vector.shape_cast %swap3A_475 : vector<16xi32> to vector<16xi32>
    %swap3A_477 = vector.shape_cast %add3A_473 : vector<16xi32> to vector<16xi32>
    tpu.vector_store %arg12[%swap3A_474], %swap3A_477 {strides = array<i32>} : memref<80xi32, #tpu.memory_space<vmem>>, vector<16xi32>,
    %iota3A_478 = tpu.iota {dimensions = array<i32: 0>} : vector<16xi32>
    %add3A_479 = arith.constant 32 : i32
    %add3A_480 = arith.addi %add3A_459, %add3A_479 : i32
    %add3A_481 = vector.broadcast %add3A_480 : i32 to vector<16xi32>
    %add3A_482 = arith.addi %iota3A_478, %add3A_481 : vector<16xi32>
    %swap3A_483 = arith.constant 32 : index
    %swap3A_484 = tpu.vector_load %arg12[%swap3A_483] {strides = array<i32>} : memref<80xi32, #tpu.memory_space<vmem>>, vector<16xi32>,
    %swap3A_485 = vector.shape_cast %swap3A_484 : vector<16xi32> to vector<16xi32>
    %swap3A_486 = vector.shape_cast %add3A_482 : vector<16xi32> to vector<16xi32>
    tpu.vector_store %arg12[%swap3A_483], %swap3A_486 {strides = array<i32>} : memref<80xi32, #tpu.memory_space<vmem>>, vector<16xi32>,
    %iota3A_487 = tpu.iota {dimensions = array<i32: 0>} : vector<16xi32>
    %add3A_488 = arith.constant 48 : i32
    %add3A_489 = arith.addi %add3A_459, %add3A_488 : i32
    %add3A_490 = vector.broadcast %add3A_489 : i32 to vector<16xi32>
    %add3A_491 = arith.addi %iota3A_487, %add3A_490 : vector<16xi32>
    %swap3A_492 = arith.constant 48 : index
    %swap3A_493 = tpu.vector_load %arg12[%swap3A_492] {strides = array<i32>} : memref<80xi32, #tpu.memory_space<vmem>>, vector<16xi32>,
    %swap3A_494 = vector.shape_cast %swap3A_493 : vector<16xi32> to vector<16xi32>
    %swap3A_495 = vector.shape_cast %add3A_491 : vector<16xi32> to vector<16xi32>
    tpu.vector_store %arg12[%swap3A_492], %swap3A_495 {strides = array<i32>} : memref<80xi32, #tpu.memory_space<vmem>>, vector<16xi32>,
    %iota3A_496 = tpu.iota {dimensions = array<i32: 0>} : vector<16xi32>
    %add3A_497 = arith.constant 64 : i32
    %add3A_498 = arith.addi %add3A_459, %add3A_497 : i32
    %add3A_499 = vector.broadcast %add3A_498 : i32 to vector<16xi32>
    %add3A_500 = arith.addi %iota3A_496, %add3A_499 : vector<16xi32>
    %swap3A_501 = arith.constant 64 : index
    %swap3A_502 = tpu.vector_load %arg12[%swap3A_501] {strides = array<i32>} : memref<80xi32, #tpu.memory_space<vmem>>, vector<16xi32>,
    %swap3A_503 = vector.shape_cast %swap3A_502 : vector<16xi32> to vector<16xi32>
    %swap3A_504 = vector.shape_cast %add3A_500 : vector<16xi32> to vector<16xi32>
    tpu.vector_store %arg12[%swap3A_501], %swap3A_504 {strides = array<i32>} : memref<80xi32, #tpu.memory_space<vmem>>, vector<16xi32>,
    %dma_start3A_505 = arith.constant 0 : i32
    %dma_start3A_506 = arith.constant 0 : i32
    %dma_start3A_507 = tpu.memref_slice %arg13[%dma_start3A_505, %dma_start3A_506] : memref<10240x128xf32, #tpu.memory_space<vmem_shared>> -> memref<10240x128xf32, #tpu.memory_space<vmem_shared>>
    tpu.enqueue_indirect_dma source(%dma_start3A_507 : memref<10240x128xf32, #tpu.memory_space<vmem_shared>>) target(%arg10 : memref<80x128xf32, #tpu.memory_space<vmem>>) offsets(%arg12 : memref<80xi32, #tpu.memory_space<vmem>>) semaphore(%arg14 : memref<!tpu.dma_semaphore, #tpu.memory_space<semaphore_mem>>)
    %add3A_508 = arith.constant 80 : i32
    %add3A_509 = arith.addi %mul3A_2, %add3A_508 : i32
    %iota3A_510 = tpu.iota {dimensions = array<i32: 0>} : vector<16xi32>
    %add3A_511 = arith.constant 0 : i32
    %add3A_512 = arith.addi %add3A_509, %add3A_511 : i32
    %add3A_513 = vector.broadcast %add3A_512 : i32 to vector<16xi32>
    %add3A_514 = arith.addi %iota3A_510, %add3A_513 : vector<16xi32>
    %swap3A_515 = arith.constant 0 : index
    %swap3A_516 = tpu.vector_load %arg8[%swap3A_515] {strides = array<i32>} : memref<80xi32, #tpu.memory_space<vmem>>, vector<16xi32>,
    %swap3A_517 = vector.shape_cast %swap3A_516 : vector<16xi32> to vector<16xi32>
    %swap3A_518 = vector.shape_cast %add3A_514 : vector<16xi32> to vector<16xi32>
    tpu.vector_store %arg8[%swap3A_515], %swap3A_518 {strides = array<i32>} : memref<80xi32, #tpu.memory_space<vmem>>, vector<16xi32>,
    %iota3A_519 = tpu.iota {dimensions = array<i32: 0>} : vector<16xi32>
    %add3A_520 = arith.constant 16 : i32
    %add3A_521 = arith.addi %add3A_509, %add3A_520 : i32
    %add3A_522 = vector.broadcast %add3A_521 : i32 to vector<16xi32>
    %add3A_523 = arith.addi %iota3A_519, %add3A_522 : vector<16xi32>
    %swap3A_524 = arith.constant 16 : index
    %swap3A_525 = tpu.vector_load %arg8[%swap3A_524] {strides = array<i32>} : memref<80xi32, #tpu.memory_space<vmem>>, vector<16xi32>,
    %swap3A_526 = vector.shape_cast %swap3A_525 : vector<16xi32> to vector<16xi32>
    %swap3A_527 = vector.shape_cast %add3A_523 : vector<16xi32> to vector<16xi32>
    tpu.vector_store %arg8[%swap3A_524], %swap3A_527 {strides = array<i32>} : memref<80xi32, #tpu.memory_space<vmem>>, vector<16xi32>,
    %iota3A_528 = tpu.iota {dimensions = array<i32: 0>} : vector<16xi32>
    %add3A_529 = arith.constant 32 : i32
    %add3A_530 = arith.addi %add3A_509, %add3A_529 : i32
    %add3A_531 = vector.broadcast %add3A_530 : i32 to vector<16xi32>
    %add3A_532 = arith.addi %iota3A_528, %add3A_531 : vector<16xi32>
    %swap3A_533 = arith.constant 32 : index
    %swap3A_534 = tpu.vector_load %arg8[%swap3A_533] {strides = array<i32>} : memref<80xi32, #tpu.memory_space<vmem>>, vector<16xi32>,
    %swap3A_535 = vector.shape_cast %swap3A_534 : vector<16xi32> to vector<16xi32>
    %swap3A_536 = vector.shape_cast %add3A_532 : vector<16xi32> to vector<16xi32>
    tpu.vector_store %arg8[%swap3A_533], %swap3A_536 {strides = array<i32>} : memref<80xi32, #tpu.memory_space<vmem>>, vector<16xi32>,
    %iota3A_537 = tpu.iota {dimensions = array<i32: 0>} : vector<16xi32>
    %add3A_538 = arith.constant 48 : i32
    %add3A_539 = arith.addi %add3A_509, %add3A_538 : i32
    %add3A_540 = vector.broadcast %add3A_539 : i32 to vector<16xi32>
    %add3A_541 = arith.addi %iota3A_537, %add3A_540 : vector<16xi32>
    %swap3A_542 = arith.constant 48 : index
    %swap3A_543 = tpu.vector_load %arg8[%swap3A_542] {strides = array<i32>} : memref<80xi32, #tpu.memory_space<vmem>>, vector<16xi32>,
    %swap3A_544 = vector.shape_cast %swap3A_543 : vector<16xi32> to vector<16xi32>
    %swap3A_545 = vector.shape_cast %add3A_541 : vector<16xi32> to vector<16xi32>
    tpu.vector_store %arg8[%swap3A_542], %swap3A_545 {strides = array<i32>} : memref<80xi32, #tpu.memory_space<vmem>>, vector<16xi32>,
    %iota3A_546 = tpu.iota {dimensions = array<i32: 0>} : vector<16xi32>
    %add3A_547 = arith.constant 64 : i32
    %add3A_548 = arith.addi %add3A_509, %add3A_547 : i32
    %add3A_549 = vector.broadcast %add3A_548 : i32 to vector<16xi32>
    %add3A_550 = arith.addi %iota3A_546, %add3A_549 : vector<16xi32>
    %swap3A_551 = arith.constant 64 : index
    %swap3A_552 = tpu.vector_load %arg8[%swap3A_551] {strides = array<i32>} : memref<80xi32, #tpu.memory_space<vmem>>, vector<16xi32>,
    %swap3A_553 = vector.shape_cast %swap3A_552 : vector<16xi32> to vector<16xi32>
    %swap3A_554 = vector.shape_cast %add3A_550 : vector<16xi32> to vector<16xi32>
    tpu.vector_store %arg8[%swap3A_551], %swap3A_554 {strides = array<i32>} : memref<80xi32, #tpu.memory_space<vmem>>, vector<16xi32>,
    %dma_start3A_555 = arith.constant 0 : i32
    %dma_start3A_556 = arith.constant 0 : i32
    %dma_start3A_557 = tpu.memref_slice %arg13[%dma_start3A_555, %dma_start3A_556] : memref<10240x128xf32, #tpu.memory_space<vmem_shared>> -> memref<10240x128xf32, #tpu.memory_space<vmem_shared>>
    tpu.enqueue_indirect_dma source(%dma_start3A_557 : memref<10240x128xf32, #tpu.memory_space<vmem_shared>>) target(%arg11 : memref<80x128xf32, #tpu.memory_space<vmem>>) offsets(%arg8 : memref<80xi32, #tpu.memory_space<vmem>>) semaphore(%arg15 : memref<!tpu.dma_semaphore, #tpu.memory_space<semaphore_mem>>)
    %dma_wait3A_558 = arith.constant 0 : i32
    %dma_wait3A_559 = arith.constant 0 : i32
    %dma_wait3A_560 = tpu.memref_slice %arg13[%dma_wait3A_558, %dma_wait3A_559] : memref<10240x128xf32, #tpu.memory_space<vmem_shared>> -> memref<10240x128xf32, #tpu.memory_space<vmem_shared>>
    tpu.wait_indirect_dma semaphore(%arg14 : memref<!tpu.dma_semaphore, #tpu.memory_space<semaphore_mem>>) src(%dma_wait3A_560 : memref<10240x128xf32, #tpu.memory_space<vmem_shared>>) dst(%arg10 : memref<80x128xf32, #tpu.memory_space<vmem>>)
    %add3A_561 = arith.constant 0 : i32
    %add3A_562 = arith.addi %mul3A_2, %add3A_561 : i32
    %dma_start3A_563 = arith.constant 0 : i32
    %dma_start3A_564 = tpu.memref_slice %arg5[%arg0, %add3A_562, %dma_start3A_563] : memref<2x10240x128xf32, #tpu.memory_space<hbm>> -> memref<1x80x128xf32, #tpu.memory_space<hbm>>
    %dma_start3A_565 = tpu.memref_squeeze %dma_start3A_564 : memref<1x80x128xf32, #tpu.memory_space<hbm>> -> memref<80x128xf32, #tpu.memory_space<hbm>>
    %dma_start3A_566 = arith.constant 0 : i32
    %dma_start3A_567 = tpu.memref_slice %arg5[%arg0, %add3A_562, %dma_start3A_566] : memref<2x10240x128xf32, #tpu.memory_space<hbm>> -> memref<1x80x128xf32, #tpu.memory_space<hbm>>
    %dma_start3A_568 = tpu.memref_squeeze %dma_start3A_567 : memref<1x80x128xf32, #tpu.memory_space<hbm>> -> memref<80x128xf32, #tpu.memory_space<hbm>>
    tpu.enqueue_dma source(%arg10 : memref<80x128xf32, #tpu.memory_space<vmem>>) target(%dma_start3A_568 : memref<80x128xf32, #tpu.memory_space<hbm>>) target_semaphore(%arg16 : memref<!tpu.dma_semaphore, #tpu.memory_space<semaphore_mem>>)
    %add3A_569 = arith.constant 0 : i32
    %add3A_570 = arith.addi %mul3A_2, %add3A_569 : i32
    %dma_wait3A_571 = arith.constant 0 : i32
    %dma_wait3A_572 = tpu.memref_slice %arg5[%arg0, %add3A_570, %dma_wait3A_571] : memref<2x10240x128xf32, #tpu.memory_space<hbm>> -> memref<1x80x128xf32, #tpu.memory_space<hbm>>
    %dma_wait3A_573 = tpu.memref_squeeze %dma_wait3A_572 : memref<1x80x128xf32, #tpu.memory_space<hbm>> -> memref<80x128xf32, #tpu.memory_space<hbm>>
    %dma_wait3A_574 = arith.constant 0 : i32
    %dma_wait3A_575 = tpu.memref_slice %arg5[%arg0, %add3A_570, %dma_wait3A_574] : memref<2x10240x128xf32, #tpu.memory_space<hbm>> -> memref<1x80x128xf32, #tpu.memory_space<hbm>>
    %dma_wait3A_576 = tpu.memref_squeeze %dma_wait3A_575 : memref<1x80x128xf32, #tpu.memory_space<hbm>> -> memref<80x128xf32, #tpu.memory_space<hbm>>
    tpu.wait_dma2 semaphore(%arg16 : memref<!tpu.dma_semaphore, #tpu.memory_space<semaphore_mem>>) src(%arg10 : memref<80x128xf32, #tpu.memory_space<vmem>>) dst(%dma_wait3A_576 : memref<80x128xf32, #tpu.memory_space<hbm>>)
    %add3A_577 = arith.constant 160 : i32
    %add3A_578 = arith.addi %mul3A_2, %add3A_577 : i32
    %iota3A_579 = tpu.iota {dimensions = array<i32: 0>} : vector<16xi32>
    %add3A_580 = arith.constant 0 : i32
    %add3A_581 = arith.addi %add3A_578, %add3A_580 : i32
    %add3A_582 = vector.broadcast %add3A_581 : i32 to vector<16xi32>
    %add3A_583 = arith.addi %iota3A_579, %add3A_582 : vector<16xi32>
    %swap3A_584 = arith.constant 0 : index
    %swap3A_585 = tpu.vector_load %arg12[%swap3A_584] {strides = array<i32>} : memref<80xi32, #tpu.memory_space<vmem>>, vector<16xi32>,
    %swap3A_586 = vector.shape_cast %swap3A_585 : vector<16xi32> to vector<16xi32>
    %swap3A_587 = vector.shape_cast %add3A_583 : vector<16xi32> to vector<16xi32>
    tpu.vector_store %arg12[%swap3A_584], %swap3A_587 {strides = array<i32>} : memref<80xi32, #tpu.memory_space<vmem>>, vector<16xi32>,
    %iota3A_588 = tpu.iota {dimensions = array<i32: 0>} : vector<16xi32>
    %add3A_589 = arith.constant 16 : i32
    %add3A_590 = arith.addi %add3A_578, %add3A_589 : i32
    %add3A_591 = vector.broadcast %add3A_590 : i32 to vector<16xi32>
    %add3A_592 = arith.addi %iota3A_588, %add3A_591 : vector<16xi32>
    %swap3A_593 = arith.constant 16 : index
    %swap3A_594 = tpu.vector_load %arg12[%swap3A_593] {strides = array<i32>} : memref<80xi32, #tpu.memory_space<vmem>>, vector<16xi32>,
    %swap3A_595 = vector.shape_cast %swap3A_594 : vector<16xi32> to vector<16xi32>
    %swap3A_596 = vector.shape_cast %add3A_592 : vector<16xi32> to vector<16xi32>
    tpu.vector_store %arg12[%swap3A_593], %swap3A_596 {strides = array<i32>} : memref<80xi32, #tpu.memory_space<vmem>>, vector<16xi32>,
    %iota3A_597 = tpu.iota {dimensions = array<i32: 0>} : vector<16xi32>
    %add3A_598 = arith.constant 32 : i32
    %add3A_599 = arith.addi %add3A_578, %add3A_598 : i32
    %add3A_600 = vector.broadcast %add3A_599 : i32 to vector<16xi32>
    %add3A_601 = arith.addi %iota3A_597, %add3A_600 : vector<16xi32>
    %swap3A_602 = arith.constant 32 : index
    %swap3A_603 = tpu.vector_load %arg12[%swap3A_602] {strides = array<i32>} : memref<80xi32, #tpu.memory_space<vmem>>, vector<16xi32>,
    %swap3A_604 = vector.shape_cast %swap3A_603 : vector<16xi32> to vector<16xi32>
    %swap3A_605 = vector.shape_cast %add3A_601 : vector<16xi32> to vector<16xi32>
    tpu.vector_store %arg12[%swap3A_602], %swap3A_605 {strides = array<i32>} : memref<80xi32, #tpu.memory_space<vmem>>, vector<16xi32>,
    %iota3A_606 = tpu.iota {dimensions = array<i32: 0>} : vector<16xi32>
    %add3A_607 = arith.constant 48 : i32
    %add3A_608 = arith.addi %add3A_578, %add3A_607 : i32
    %add3A_609 = vector.broadcast %add3A_608 : i32 to vector<16xi32>
    %add3A_610 = arith.addi %iota3A_606, %add3A_609 : vector<16xi32>
    %swap3A_611 = arith.constant 48 : index
    %swap3A_612 = tpu.vector_load %arg12[%swap3A_611] {strides = array<i32>} : memref<80xi32, #tpu.memory_space<vmem>>, vector<16xi32>,
    %swap3A_613 = vector.shape_cast %swap3A_612 : vector<16xi32> to vector<16xi32>
    %swap3A_614 = vector.shape_cast %add3A_610 : vector<16xi32> to vector<16xi32>
    tpu.vector_store %arg12[%swap3A_611], %swap3A_614 {strides = array<i32>} : memref<80xi32, #tpu.memory_space<vmem>>, vector<16xi32>,
    %iota3A_615 = tpu.iota {dimensions = array<i32: 0>} : vector<16xi32>
    %add3A_616 = arith.constant 64 : i32
    %add3A_617 = arith.addi %add3A_578, %add3A_616 : i32
    %add3A_618 = vector.broadcast %add3A_617 : i32 to vector<16xi32>
    %add3A_619 = arith.addi %iota3A_615, %add3A_618 : vector<16xi32>
    %swap3A_620 = arith.constant 64 : index
    %swap3A_621 = tpu.vector_load %arg12[%swap3A_620] {strides = array<i32>} : memref<80xi32, #tpu.memory_space<vmem>>, vector<16xi32>,
    %swap3A_622 = vector.shape_cast %swap3A_621 : vector<16xi32> to vector<16xi32>
    %swap3A_623 = vector.shape_cast %add3A_619 : vector<16xi32> to vector<16xi32>
    tpu.vector_store %arg12[%swap3A_620], %swap3A_623 {strides = array<i32>} : memref<80xi32, #tpu.memory_space<vmem>>, vector<16xi32>,
    %dma_start3A_624 = arith.constant 0 : i32
    %dma_start3A_625 = arith.constant 0 : i32
    %dma_start3A_626 = tpu.memref_slice %arg13[%dma_start3A_624, %dma_start3A_625] : memref<10240x128xf32, #tpu.memory_space<vmem_shared>> -> memref<10240x128xf32, #tpu.memory_space<vmem_shared>>
    tpu.enqueue_indirect_dma source(%dma_start3A_626 : memref<10240x128xf32, #tpu.memory_space<vmem_shared>>) target(%arg10 : memref<80x128xf32, #tpu.memory_space<vmem>>) offsets(%arg12 : memref<80xi32, #tpu.memory_space<vmem>>) semaphore(%arg14 : memref<!tpu.dma_semaphore, #tpu.memory_space<semaphore_mem>>)
    %dma_wait3A_627 = arith.constant 0 : i32
    %dma_wait3A_628 = arith.constant 0 : i32
    %dma_wait3A_629 = tpu.memref_slice %arg13[%dma_wait3A_627, %dma_wait3A_628] : memref<10240x128xf32, #tpu.memory_space<vmem_shared>> -> memref<10240x128xf32, #tpu.memory_space<vmem_shared>>
    tpu.wait_indirect_dma semaphore(%arg15 : memref<!tpu.dma_semaphore, #tpu.memory_space<semaphore_mem>>) src(%dma_wait3A_629 : memref<10240x128xf32, #tpu.memory_space<vmem_shared>>) dst(%arg11 : memref<80x128xf32, #tpu.memory_space<vmem>>)
    %add3A_630 = arith.constant 80 : i32
    %add3A_631 = arith.addi %mul3A_2, %add3A_630 : i32
    %dma_start3A_632 = arith.constant 0 : i32
    %dma_start3A_633 = tpu.memref_slice %arg5[%arg0, %add3A_631, %dma_start3A_632] : memref<2x10240x128xf32, #tpu.memory_space<hbm>> -> memref<1x80x128xf32, #tpu.memory_space<hbm>>
    %dma_start3A_634 = tpu.memref_squeeze %dma_start3A_633 : memref<1x80x128xf32, #tpu.memory_space<hbm>> -> memref<80x128xf32, #tpu.memory_space<hbm>>
    %dma_start3A_635 = arith.constant 0 : i32
    %dma_start3A_636 = tpu.memref_slice %arg5[%arg0, %add3A_631, %dma_start3A_635] : memref<2x10240x128xf32, #tpu.memory_space<hbm>> -> memref<1x80x128xf32, #tpu.memory_space<hbm>>
    %dma_start3A_637 = tpu.memref_squeeze %dma_start3A_636 : memref<1x80x128xf32, #tpu.memory_space<hbm>> -> memref<80x128xf32, #tpu.memory_space<hbm>>
    tpu.enqueue_dma source(%arg11 : memref<80x128xf32, #tpu.memory_space<vmem>>) target(%dma_start3A_637 : memref<80x128xf32, #tpu.memory_space<hbm>>) target_semaphore(%arg17 : memref<!tpu.dma_semaphore, #tpu.memory_space<semaphore_mem>>)
    %add3A_638 = arith.constant 80 : i32
    %add3A_639 = arith.addi %mul3A_2, %add3A_638 : i32
    %dma_wait3A_640 = arith.constant 0 : i32
    %dma_wait3A_641 = tpu.memref_slice %arg5[%arg0, %add3A_639, %dma_wait3A_640] : memref<2x10240x128xf32, #tpu.memory_space<hbm>> -> memref<1x80x128xf32, #tpu.memory_space<hbm>>
    %dma_wait3A_642 = tpu.memref_squeeze %dma_wait3A_641 : memref<1x80x128xf32, #tpu.memory_space<hbm>> -> memref<80x128xf32, #tpu.memory_space<hbm>>
    %dma_wait3A_643 = arith.constant 0 : i32
    %dma_wait3A_644 = tpu.memref_slice %arg5[%arg0, %add3A_639, %dma_wait3A_643] : memref<2x10240x128xf32, #tpu.memory_space<hbm>> -> memref<1x80x128xf32, #tpu.memory_space<hbm>>
    %dma_wait3A_645 = tpu.memref_squeeze %dma_wait3A_644 : memref<1x80x128xf32, #tpu.memory_space<hbm>> -> memref<80x128xf32, #tpu.memory_space<hbm>>
    tpu.wait_dma2 semaphore(%arg17 : memref<!tpu.dma_semaphore, #tpu.memory_space<semaphore_mem>>) src(%arg11 : memref<80x128xf32, #tpu.memory_space<vmem>>) dst(%dma_wait3A_645 : memref<80x128xf32, #tpu.memory_space<hbm>>)
    %add3A_646 = arith.constant 240 : i32
    %add3A_647 = arith.addi %mul3A_2, %add3A_646 : i32
    %iota3A_648 = tpu.iota {dimensions = array<i32: 0>} : vector<16xi32>
    %add3A_649 = arith.constant 0 : i32
    %add3A_650 = arith.addi %add3A_647, %add3A_649 : i32
    %add3A_651 = vector.broadcast %add3A_650 : i32 to vector<16xi32>
    %add3A_652 = arith.addi %iota3A_648, %add3A_651 : vector<16xi32>
    %swap3A_653 = arith.constant 0 : index
    %swap3A_654 = tpu.vector_load %arg8[%swap3A_653] {strides = array<i32>} : memref<80xi32, #tpu.memory_space<vmem>>, vector<16xi32>,
    %swap3A_655 = vector.shape_cast %swap3A_654 : vector<16xi32> to vector<16xi32>
    %swap3A_656 = vector.shape_cast %add3A_652 : vector<16xi32> to vector<16xi32>
    tpu.vector_store %arg8[%swap3A_653], %swap3A_656 {strides = array<i32>} : memref<80xi32, #tpu.memory_space<vmem>>, vector<16xi32>,
    %iota3A_657 = tpu.iota {dimensions = array<i32: 0>} : vector<16xi32>
    %add3A_658 = arith.constant 16 : i32
    %add3A_659 = arith.addi %add3A_647, %add3A_658 : i32
    %add3A_660 = vector.broadcast %add3A_659 : i32 to vector<16xi32>
    %add3A_661 = arith.addi %iota3A_657, %add3A_660 : vector<16xi32>
    %swap3A_662 = arith.constant 16 : index
    %swap3A_663 = tpu.vector_load %arg8[%swap3A_662] {strides = array<i32>} : memref<80xi32, #tpu.memory_space<vmem>>, vector<16xi32>,
    %swap3A_664 = vector.shape_cast %swap3A_663 : vector<16xi32> to vector<16xi32>
    %swap3A_665 = vector.shape_cast %add3A_661 : vector<16xi32> to vector<16xi32>
    tpu.vector_store %arg8[%swap3A_662], %swap3A_665 {strides = array<i32>} : memref<80xi32, #tpu.memory_space<vmem>>, vector<16xi32>,
    %iota3A_666 = tpu.iota {dimensions = array<i32: 0>} : vector<16xi32>
    %add3A_667 = arith.constant 32 : i32
    %add3A_668 = arith.addi %add3A_647, %add3A_667 : i32
    %add3A_669 = vector.broadcast %add3A_668 : i32 to vector<16xi32>
    %add3A_670 = arith.addi %iota3A_666, %add3A_669 : vector<16xi32>
    %swap3A_671 = arith.constant 32 : index
    %swap3A_672 = tpu.vector_load %arg8[%swap3A_671] {strides = array<i32>} : memref<80xi32, #tpu.memory_space<vmem>>, vector<16xi32>,
    %swap3A_673 = vector.shape_cast %swap3A_672 : vector<16xi32> to vector<16xi32>
    %swap3A_674 = vector.shape_cast %add3A_670 : vector<16xi32> to vector<16xi32>
    tpu.vector_store %arg8[%swap3A_671], %swap3A_674 {strides = array<i32>} : memref<80xi32, #tpu.memory_space<vmem>>, vector<16xi32>,
    %iota3A_675 = tpu.iota {dimensions = array<i32: 0>} : vector<16xi32>
    %add3A_676 = arith.constant 48 : i32
    %add3A_677 = arith.addi %add3A_647, %add3A_676 : i32
    %add3A_678 = vector.broadcast %add3A_677 : i32 to vector<16xi32>
    %add3A_679 = arith.addi %iota3A_675, %add3A_678 : vector<16xi32>
    %swap3A_680 = arith.constant 48 : index
    %swap3A_681 = tpu.vector_load %arg8[%swap3A_680] {strides = array<i32>} : memref<80xi32, #tpu.memory_space<vmem>>, vector<16xi32>,
    %swap3A_682 = vector.shape_cast %swap3A_681 : vector<16xi32> to vector<16xi32>
    %swap3A_683 = vector.shape_cast %add3A_679 : vector<16xi32> to vector<16xi32>
    tpu.vector_store %arg8[%swap3A_680], %swap3A_683 {strides = array<i32>} : memref<80xi32, #tpu.memory_space<vmem>>, vector<16xi32>,
    %iota3A_684 = tpu.iota {dimensions = array<i32: 0>} : vector<16xi32>
    %add3A_685 = arith.constant 64 : i32
    %add3A_686 = arith.addi %add3A_647, %add3A_685 : i32
    %add3A_687 = vector.broadcast %add3A_686 : i32 to vector<16xi32>
    %add3A_688 = arith.addi %iota3A_684, %add3A_687 : vector<16xi32>
    %swap3A_689 = arith.constant 64 : index
    %swap3A_690 = tpu.vector_load %arg8[%swap3A_689] {strides = array<i32>} : memref<80xi32, #tpu.memory_space<vmem>>, vector<16xi32>,
    %swap3A_691 = vector.shape_cast %swap3A_690 : vector<16xi32> to vector<16xi32>
    %swap3A_692 = vector.shape_cast %add3A_688 : vector<16xi32> to vector<16xi32>
    tpu.vector_store %arg8[%swap3A_689], %swap3A_692 {strides = array<i32>} : memref<80xi32, #tpu.memory_space<vmem>>, vector<16xi32>,
    %dma_start3A_693 = arith.constant 0 : i32
    %dma_start3A_694 = arith.constant 0 : i32
    %dma_start3A_695 = tpu.memref_slice %arg13[%dma_start3A_693, %dma_start3A_694] : memref<10240x128xf32, #tpu.memory_space<vmem_shared>> -> memref<10240x128xf32, #tpu.memory_space<vmem_shared>>
    tpu.enqueue_indirect_dma source(%dma_start3A_695 : memref<10240x128xf32, #tpu.memory_space<vmem_shared>>) target(%arg11 : memref<80x128xf32, #tpu.memory_space<vmem>>) offsets(%arg8 : memref<80xi32, #tpu.memory_space<vmem>>) semaphore(%arg15 : memref<!tpu.dma_semaphore, #tpu.memory_space<semaphore_mem>>)
    %dma_wait3A_696 = arith.constant 0 : i32
    %dma_wait3A_697 = arith.constant 0 : i32
    %dma_wait3A_698 = tpu.memref_slice %arg13[%dma_wait3A_696, %dma_wait3A_697] : memref<10240x128xf32, #tpu.memory_space<vmem_shared>> -> memref<10240x128xf32, #tpu.memory_space<vmem_shared>>
    tpu.wait_indirect_dma semaphore(%arg14 : memref<!tpu.dma_semaphore, #tpu.memory_space<semaphore_mem>>) src(%dma_wait3A_698 : memref<10240x128xf32, #tpu.memory_space<vmem_shared>>) dst(%arg10 : memref<80x128xf32, #tpu.memory_space<vmem>>)
    %add3A_699 = arith.constant 160 : i32
    %add3A_700 = arith.addi %mul3A_2, %add3A_699 : i32
    %dma_start3A_701 = arith.constant 0 : i32
    %dma_start3A_702 = tpu.memref_slice %arg5[%arg0, %add3A_700, %dma_start3A_701] : memref<2x10240x128xf32, #tpu.memory_space<hbm>> -> memref<1x80x128xf32, #tpu.memory_space<hbm>>
    %dma_start3A_703 = tpu.memref_squeeze %dma_start3A_702 : memref<1x80x128xf32, #tpu.memory_space<hbm>> -> memref<80x128xf32, #tpu.memory_space<hbm>>
    %dma_start3A_704 = arith.constant 0 : i32
    %dma_start3A_705 = tpu.memref_slice %arg5[%arg0, %add3A_700, %dma_start3A_704] : memref<2x10240x128xf32, #tpu.memory_space<hbm>> -> memref<1x80x128xf32, #tpu.memory_space<hbm>>
    %dma_start3A_706 = tpu.memref_squeeze %dma_start3A_705 : memref<1x80x128xf32, #tpu.memory_space<hbm>> -> memref<80x128xf32, #tpu.memory_space<hbm>>
    tpu.enqueue_dma source(%arg10 : memref<80x128xf32, #tpu.memory_space<vmem>>) target(%dma_start3A_706 : memref<80x128xf32, #tpu.memory_space<hbm>>) target_semaphore(%arg16 : memref<!tpu.dma_semaphore, #tpu.memory_space<semaphore_mem>>)
    %add3A_707 = arith.constant 160 : i32
    %add3A_708 = arith.addi %mul3A_2, %add3A_707 : i32
    %dma_wait3A_709 = arith.constant 0 : i32
    %dma_wait3A_710 = tpu.memref_slice %arg5[%arg0, %add3A_708, %dma_wait3A_709] : memref<2x10240x128xf32, #tpu.memory_space<hbm>> -> memref<1x80x128xf32, #tpu.memory_space<hbm>>
    %dma_wait3A_711 = tpu.memref_squeeze %dma_wait3A_710 : memref<1x80x128xf32, #tpu.memory_space<hbm>> -> memref<80x128xf32, #tpu.memory_space<hbm>>
    %dma_wait3A_712 = arith.constant 0 : i32
    %dma_wait3A_713 = tpu.memref_slice %arg5[%arg0, %add3A_708, %dma_wait3A_712] : memref<2x10240x128xf32, #tpu.memory_space<hbm>> -> memref<1x80x128xf32, #tpu.memory_space<hbm>>
    %dma_wait3A_714 = tpu.memref_squeeze %dma_wait3A_713 : memref<1x80x128xf32, #tpu.memory_space<hbm>> -> memref<80x128xf32, #tpu.memory_space<hbm>>
    tpu.wait_dma2 semaphore(%arg16 : memref<!tpu.dma_semaphore, #tpu.memory_space<semaphore_mem>>) src(%arg10 : memref<80x128xf32, #tpu.memory_space<vmem>>) dst(%dma_wait3A_714 : memref<80x128xf32, #tpu.memory_space<hbm>>)
    %add3A_715 = arith.constant 320 : i32
    %add3A_716 = arith.addi %mul3A_2, %add3A_715 : i32
    %iota3A_717 = tpu.iota {dimensions = array<i32: 0>} : vector<16xi32>
    %add3A_718 = arith.constant 0 : i32
    %add3A_719 = arith.addi %add3A_716, %add3A_718 : i32
    %add3A_720 = vector.broadcast %add3A_719 : i32 to vector<16xi32>
    %add3A_721 = arith.addi %iota3A_717, %add3A_720 : vector<16xi32>
    %swap3A_722 = arith.constant 0 : index
    %swap3A_723 = tpu.vector_load %arg12[%swap3A_722] {strides = array<i32>} : memref<80xi32, #tpu.memory_space<vmem>>, vector<16xi32>,
    %swap3A_724 = vector.shape_cast %swap3A_723 : vector<16xi32> to vector<16xi32>
    %swap3A_725 = vector.shape_cast %add3A_721 : vector<16xi32> to vector<16xi32>
    tpu.vector_store %arg12[%swap3A_722], %swap3A_725 {strides = array<i32>} : memref<80xi32, #tpu.memory_space<vmem>>, vector<16xi32>,
    %iota3A_726 = tpu.iota {dimensions = array<i32: 0>} : vector<16xi32>
    %add3A_727 = arith.constant 16 : i32
    %add3A_728 = arith.addi %add3A_716, %add3A_727 : i32
    %add3A_729 = vector.broadcast %add3A_728 : i32 to vector<16xi32>
    %add3A_730 = arith.addi %iota3A_726, %add3A_729 : vector<16xi32>
    %swap3A_731 = arith.constant 16 : index
    %swap3A_732 = tpu.vector_load %arg12[%swap3A_731] {strides = array<i32>} : memref<80xi32, #tpu.memory_space<vmem>>, vector<16xi32>,
    %swap3A_733 = vector.shape_cast %swap3A_732 : vector<16xi32> to vector<16xi32>
    %swap3A_734 = vector.shape_cast %add3A_730 : vector<16xi32> to vector<16xi32>
    tpu.vector_store %arg12[%swap3A_731], %swap3A_734 {strides = array<i32>} : memref<80xi32, #tpu.memory_space<vmem>>, vector<16xi32>,
    %iota3A_735 = tpu.iota {dimensions = array<i32: 0>} : vector<16xi32>
    %add3A_736 = arith.constant 32 : i32
    %add3A_737 = arith.addi %add3A_716, %add3A_736 : i32
    %add3A_738 = vector.broadcast %add3A_737 : i32 to vector<16xi32>
    %add3A_739 = arith.addi %iota3A_735, %add3A_738 : vector<16xi32>
    %swap3A_740 = arith.constant 32 : index
    %swap3A_741 = tpu.vector_load %arg12[%swap3A_740] {strides = array<i32>} : memref<80xi32, #tpu.memory_space<vmem>>, vector<16xi32>,
    %swap3A_742 = vector.shape_cast %swap3A_741 : vector<16xi32> to vector<16xi32>
    %swap3A_743 = vector.shape_cast %add3A_739 : vector<16xi32> to vector<16xi32>
    tpu.vector_store %arg12[%swap3A_740], %swap3A_743 {strides = array<i32>} : memref<80xi32, #tpu.memory_space<vmem>>, vector<16xi32>,
    %iota3A_744 = tpu.iota {dimensions = array<i32: 0>} : vector<16xi32>
    %add3A_745 = arith.constant 48 : i32
    %add3A_746 = arith.addi %add3A_716, %add3A_745 : i32
    %add3A_747 = vector.broadcast %add3A_746 : i32 to vector<16xi32>
    %add3A_748 = arith.addi %iota3A_744, %add3A_747 : vector<16xi32>
    %swap3A_749 = arith.constant 48 : index
    %swap3A_750 = tpu.vector_load %arg12[%swap3A_749] {strides = array<i32>} : memref<80xi32, #tpu.memory_space<vmem>>, vector<16xi32>,
    %swap3A_751 = vector.shape_cast %swap3A_750 : vector<16xi32> to vector<16xi32>
    %swap3A_752 = vector.shape_cast %add3A_748 : vector<16xi32> to vector<16xi32>
    tpu.vector_store %arg12[%swap3A_749], %swap3A_752 {strides = array<i32>} : memref<80xi32, #tpu.memory_space<vmem>>, vector<16xi32>,
    %iota3A_753 = tpu.iota {dimensions = array<i32: 0>} : vector<16xi32>
    %add3A_754 = arith.constant 64 : i32
    %add3A_755 = arith.addi %add3A_716, %add3A_754 : i32
    %add3A_756 = vector.broadcast %add3A_755 : i32 to vector<16xi32>
    %add3A_757 = arith.addi %iota3A_753, %add3A_756 : vector<16xi32>
    %swap3A_758 = arith.constant 64 : index
    %swap3A_759 = tpu.vector_load %arg12[%swap3A_758] {strides = array<i32>} : memref<80xi32, #tpu.memory_space<vmem>>, vector<16xi32>,
    %swap3A_760 = vector.shape_cast %swap3A_759 : vector<16xi32> to vector<16xi32>
    %swap3A_761 = vector.shape_cast %add3A_757 : vector<16xi32> to vector<16xi32>
    tpu.vector_store %arg12[%swap3A_758], %swap3A_761 {strides = array<i32>} : memref<80xi32, #tpu.memory_space<vmem>>, vector<16xi32>,
    %dma_start3A_762 = arith.constant 0 : i32
    %dma_start3A_763 = arith.constant 0 : i32
    %dma_start3A_764 = tpu.memref_slice %arg13[%dma_start3A_762, %dma_start3A_763] : memref<10240x128xf32, #tpu.memory_space<vmem_shared>> -> memref<10240x128xf32, #tpu.memory_space<vmem_shared>>
    tpu.enqueue_indirect_dma source(%dma_start3A_764 : memref<10240x128xf32, #tpu.memory_space<vmem_shared>>) target(%arg10 : memref<80x128xf32, #tpu.memory_space<vmem>>) offsets(%arg12 : memref<80xi32, #tpu.memory_space<vmem>>) semaphore(%arg14 : memref<!tpu.dma_semaphore, #tpu.memory_space<semaphore_mem>>)
    %dma_wait3A_765 = arith.constant 0 : i32
    %dma_wait3A_766 = arith.constant 0 : i32
    %dma_wait3A_767 = tpu.memref_slice %arg13[%dma_wait3A_765, %dma_wait3A_766] : memref<10240x128xf32, #tpu.memory_space<vmem_shared>> -> memref<10240x128xf32, #tpu.memory_space<vmem_shared>>
    tpu.wait_indirect_dma semaphore(%arg15 : memref<!tpu.dma_semaphore, #tpu.memory_space<semaphore_mem>>) src(%dma_wait3A_767 : memref<10240x128xf32, #tpu.memory_space<vmem_shared>>) dst(%arg11 : memref<80x128xf32, #tpu.memory_space<vmem>>)
    %add3A_768 = arith.constant 240 : i32
    %add3A_769 = arith.addi %mul3A_2, %add3A_768 : i32
    %dma_start3A_770 = arith.constant 0 : i32
    %dma_start3A_771 = tpu.memref_slice %arg5[%arg0, %add3A_769, %dma_start3A_770] : memref<2x10240x128xf32, #tpu.memory_space<hbm>> -> memref<1x80x128xf32, #tpu.memory_space<hbm>>
    %dma_start3A_772 = tpu.memref_squeeze %dma_start3A_771 : memref<1x80x128xf32, #tpu.memory_space<hbm>> -> memref<80x128xf32, #tpu.memory_space<hbm>>
    %dma_start3A_773 = arith.constant 0 : i32
    %dma_start3A_774 = tpu.memref_slice %arg5[%arg0, %add3A_769, %dma_start3A_773] : memref<2x10240x128xf32, #tpu.memory_space<hbm>> -> memref<1x80x128xf32, #tpu.memory_space<hbm>>
    %dma_start3A_775 = tpu.memref_squeeze %dma_start3A_774 : memref<1x80x128xf32, #tpu.memory_space<hbm>> -> memref<80x128xf32, #tpu.memory_space<hbm>>
    tpu.enqueue_dma source(%arg11 : memref<80x128xf32, #tpu.memory_space<vmem>>) target(%dma_start3A_775 : memref<80x128xf32, #tpu.memory_space<hbm>>) target_semaphore(%arg17 : memref<!tpu.dma_semaphore, #tpu.memory_space<semaphore_mem>>)
    %add3A_776 = arith.constant 240 : i32
    %add3A_777 = arith.addi %mul3A_2, %add3A_776 : i32
    %dma_wait3A_778 = arith.constant 0 : i32
    %dma_wait3A_779 = tpu.memref_slice %arg5[%arg0, %add3A_777, %dma_wait3A_778] : memref<2x10240x128xf32, #tpu.memory_space<hbm>> -> memref<1x80x128xf32, #tpu.memory_space<hbm>>
    %dma_wait3A_780 = tpu.memref_squeeze %dma_wait3A_779 : memref<1x80x128xf32, #tpu.memory_space<hbm>> -> memref<80x128xf32, #tpu.memory_space<hbm>>
    %dma_wait3A_781 = arith.constant 0 : i32
    %dma_wait3A_782 = tpu.memref_slice %arg5[%arg0, %add3A_777, %dma_wait3A_781] : memref<2x10240x128xf32, #tpu.memory_space<hbm>> -> memref<1x80x128xf32, #tpu.memory_space<hbm>>
    %dma_wait3A_783 = tpu.memref_squeeze %dma_wait3A_782 : memref<1x80x128xf32, #tpu.memory_space<hbm>> -> memref<80x128xf32, #tpu.memory_space<hbm>>
    tpu.wait_dma2 semaphore(%arg17 : memref<!tpu.dma_semaphore, #tpu.memory_space<semaphore_mem>>) src(%arg11 : memref<80x128xf32, #tpu.memory_space<vmem>>) dst(%dma_wait3A_783 : memref<80x128xf32, #tpu.memory_space<hbm>>)
    %add3A_784 = arith.constant 400 : i32
    %add3A_785 = arith.addi %mul3A_2, %add3A_784 : i32
    %iota3A_786 = tpu.iota {dimensions = array<i32: 0>} : vector<16xi32>
    %add3A_787 = arith.constant 0 : i32
    %add3A_788 = arith.addi %add3A_785, %add3A_787 : i32
    %add3A_789 = vector.broadcast %add3A_788 : i32 to vector<16xi32>
    %add3A_790 = arith.addi %iota3A_786, %add3A_789 : vector<16xi32>
    %swap3A_791 = arith.constant 0 : index
    %swap3A_792 = tpu.vector_load %arg8[%swap3A_791] {strides = array<i32>} : memref<80xi32, #tpu.memory_space<vmem>>, vector<16xi32>,
    %swap3A_793 = vector.shape_cast %swap3A_792 : vector<16xi32> to vector<16xi32>
    %swap3A_794 = vector.shape_cast %add3A_790 : vector<16xi32> to vector<16xi32>
    tpu.vector_store %arg8[%swap3A_791], %swap3A_794 {strides = array<i32>} : memref<80xi32, #tpu.memory_space<vmem>>, vector<16xi32>,
    %iota3A_795 = tpu.iota {dimensions = array<i32: 0>} : vector<16xi32>
    %add3A_796 = arith.constant 16 : i32
    %add3A_797 = arith.addi %add3A_785, %add3A_796 : i32
    %add3A_798 = vector.broadcast %add3A_797 : i32 to vector<16xi32>
    %add3A_799 = arith.addi %iota3A_795, %add3A_798 : vector<16xi32>
    %swap3A_800 = arith.constant 16 : index
    %swap3A_801 = tpu.vector_load %arg8[%swap3A_800] {strides = array<i32>} : memref<80xi32, #tpu.memory_space<vmem>>, vector<16xi32>,
    %swap3A_802 = vector.shape_cast %swap3A_801 : vector<16xi32> to vector<16xi32>
    %swap3A_803 = vector.shape_cast %add3A_799 : vector<16xi32> to vector<16xi32>
    tpu.vector_store %arg8[%swap3A_800], %swap3A_803 {strides = array<i32>} : memref<80xi32, #tpu.memory_space<vmem>>, vector<16xi32>,
    %iota3A_804 = tpu.iota {dimensions = array<i32: 0>} : vector<16xi32>
    %add3A_805 = arith.constant 32 : i32
    %add3A_806 = arith.addi %add3A_785, %add3A_805 : i32
    %add3A_807 = vector.broadcast %add3A_806 : i32 to vector<16xi32>
    %add3A_808 = arith.addi %iota3A_804, %add3A_807 : vector<16xi32>
    %swap3A_809 = arith.constant 32 : index
    %swap3A_810 = tpu.vector_load %arg8[%swap3A_809] {strides = array<i32>} : memref<80xi32, #tpu.memory_space<vmem>>, vector<16xi32>,
    %swap3A_811 = vector.shape_cast %swap3A_810 : vector<16xi32> to vector<16xi32>
    %swap3A_812 = vector.shape_cast %add3A_808 : vector<16xi32> to vector<16xi32>
    tpu.vector_store %arg8[%swap3A_809], %swap3A_812 {strides = array<i32>} : memref<80xi32, #tpu.memory_space<vmem>>, vector<16xi32>,
    %iota3A_813 = tpu.iota {dimensions = array<i32: 0>} : vector<16xi32>
    %add3A_814 = arith.constant 48 : i32
    %add3A_815 = arith.addi %add3A_785, %add3A_814 : i32
    %add3A_816 = vector.broadcast %add3A_815 : i32 to vector<16xi32>
    %add3A_817 = arith.addi %iota3A_813, %add3A_816 : vector<16xi32>
    %swap3A_818 = arith.constant 48 : index
    %swap3A_819 = tpu.vector_load %arg8[%swap3A_818] {strides = array<i32>} : memref<80xi32, #tpu.memory_space<vmem>>, vector<16xi32>,
    %swap3A_820 = vector.shape_cast %swap3A_819 : vector<16xi32> to vector<16xi32>
    %swap3A_821 = vector.shape_cast %add3A_817 : vector<16xi32> to vector<16xi32>
    tpu.vector_store %arg8[%swap3A_818], %swap3A_821 {strides = array<i32>} : memref<80xi32, #tpu.memory_space<vmem>>, vector<16xi32>,
    %iota3A_822 = tpu.iota {dimensions = array<i32: 0>} : vector<16xi32>
    %add3A_823 = arith.constant 64 : i32
    %add3A_824 = arith.addi %add3A_785, %add3A_823 : i32
    %add3A_825 = vector.broadcast %add3A_824 : i32 to vector<16xi32>
    %add3A_826 = arith.addi %iota3A_822, %add3A_825 : vector<16xi32>
    %swap3A_827 = arith.constant 64 : index
    %swap3A_828 = tpu.vector_load %arg8[%swap3A_827] {strides = array<i32>} : memref<80xi32, #tpu.memory_space<vmem>>, vector<16xi32>,
    %swap3A_829 = vector.shape_cast %swap3A_828 : vector<16xi32> to vector<16xi32>
    %swap3A_830 = vector.shape_cast %add3A_826 : vector<16xi32> to vector<16xi32>
    tpu.vector_store %arg8[%swap3A_827], %swap3A_830 {strides = array<i32>} : memref<80xi32, #tpu.memory_space<vmem>>, vector<16xi32>,
    %dma_start3A_831 = arith.constant 0 : i32
    %dma_start3A_832 = arith.constant 0 : i32
    %dma_start3A_833 = tpu.memref_slice %arg13[%dma_start3A_831, %dma_start3A_832] : memref<10240x128xf32, #tpu.memory_space<vmem_shared>> -> memref<10240x128xf32, #tpu.memory_space<vmem_shared>>
    tpu.enqueue_indirect_dma source(%dma_start3A_833 : memref<10240x128xf32, #tpu.memory_space<vmem_shared>>) target(%arg11 : memref<80x128xf32, #tpu.memory_space<vmem>>) offsets(%arg8 : memref<80xi32, #tpu.memory_space<vmem>>) semaphore(%arg15 : memref<!tpu.dma_semaphore, #tpu.memory_space<semaphore_mem>>)
    %dma_wait3A_834 = arith.constant 0 : i32
    %dma_wait3A_835 = arith.constant 0 : i32
    %dma_wait3A_836 = tpu.memref_slice %arg13[%dma_wait3A_834, %dma_wait3A_835] : memref<10240x128xf32, #tpu.memory_space<vmem_shared>> -> memref<10240x128xf32, #tpu.memory_space<vmem_shared>>
    tpu.wait_indirect_dma semaphore(%arg14 : memref<!tpu.dma_semaphore, #tpu.memory_space<semaphore_mem>>) src(%dma_wait3A_836 : memref<10240x128xf32, #tpu.memory_space<vmem_shared>>) dst(%arg10 : memref<80x128xf32, #tpu.memory_space<vmem>>)
    %add3A_837 = arith.constant 320 : i32
    %add3A_838 = arith.addi %mul3A_2, %add3A_837 : i32
    %dma_start3A_839 = arith.constant 0 : i32
    %dma_start3A_840 = tpu.memref_slice %arg5[%arg0, %add3A_838, %dma_start3A_839] : memref<2x10240x128xf32, #tpu.memory_space<hbm>> -> memref<1x80x128xf32, #tpu.memory_space<hbm>>
    %dma_start3A_841 = tpu.memref_squeeze %dma_start3A_840 : memref<1x80x128xf32, #tpu.memory_space<hbm>> -> memref<80x128xf32, #tpu.memory_space<hbm>>
    %dma_start3A_842 = arith.constant 0 : i32
    %dma_start3A_843 = tpu.memref_slice %arg5[%arg0, %add3A_838, %dma_start3A_842] : memref<2x10240x128xf32, #tpu.memory_space<hbm>> -> memref<1x80x128xf32, #tpu.memory_space<hbm>>
    %dma_start3A_844 = tpu.memref_squeeze %dma_start3A_843 : memref<1x80x128xf32, #tpu.memory_space<hbm>> -> memref<80x128xf32, #tpu.memory_space<hbm>>
    tpu.enqueue_dma source(%arg10 : memref<80x128xf32, #tpu.memory_space<vmem>>) target(%dma_start3A_844 : memref<80x128xf32, #tpu.memory_space<hbm>>) target_semaphore(%arg16 : memref<!tpu.dma_semaphore, #tpu.memory_space<semaphore_mem>>)
    %add3A_845 = arith.constant 320 : i32
    %add3A_846 = arith.addi %mul3A_2, %add3A_845 : i32
    %dma_wait3A_847 = arith.constant 0 : i32
    %dma_wait3A_848 = tpu.memref_slice %arg5[%arg0, %add3A_846, %dma_wait3A_847] : memref<2x10240x128xf32, #tpu.memory_space<hbm>> -> memref<1x80x128xf32, #tpu.memory_space<hbm>>
    %dma_wait3A_849 = tpu.memref_squeeze %dma_wait3A_848 : memref<1x80x128xf32, #tpu.memory_space<hbm>> -> memref<80x128xf32, #tpu.memory_space<hbm>>
    %dma_wait3A_850 = arith.constant 0 : i32
    %dma_wait3A_851 = tpu.memref_slice %arg5[%arg0, %add3A_846, %dma_wait3A_850] : memref<2x10240x128xf32, #tpu.memory_space<hbm>> -> memref<1x80x128xf32, #tpu.memory_space<hbm>>
    %dma_wait3A_852 = tpu.memref_squeeze %dma_wait3A_851 : memref<1x80x128xf32, #tpu.memory_space<hbm>> -> memref<80x128xf32, #tpu.memory_space<hbm>>
    tpu.wait_dma2 semaphore(%arg16 : memref<!tpu.dma_semaphore, #tpu.memory_space<semaphore_mem>>) src(%arg10 : memref<80x128xf32, #tpu.memory_space<vmem>>) dst(%dma_wait3A_852 : memref<80x128xf32, #tpu.memory_space<hbm>>)
    %add3A_853 = arith.constant 480 : i32
    %add3A_854 = arith.addi %mul3A_2, %add3A_853 : i32
    %iota3A_855 = tpu.iota {dimensions = array<i32: 0>} : vector<16xi32>
    %add3A_856 = arith.constant 0 : i32
    %add3A_857 = arith.addi %add3A_854, %add3A_856 : i32
    %add3A_858 = vector.broadcast %add3A_857 : i32 to vector<16xi32>
    %add3A_859 = arith.addi %iota3A_855, %add3A_858 : vector<16xi32>
    %swap3A_860 = arith.constant 0 : index
    %swap3A_861 = tpu.vector_load %arg12[%swap3A_860] {strides = array<i32>} : memref<80xi32, #tpu.memory_space<vmem>>, vector<16xi32>,
    %swap3A_862 = vector.shape_cast %swap3A_861 : vector<16xi32> to vector<16xi32>
    %swap3A_863 = vector.shape_cast %add3A_859 : vector<16xi32> to vector<16xi32>
    tpu.vector_store %arg12[%swap3A_860], %swap3A_863 {strides = array<i32>} : memref<80xi32, #tpu.memory_space<vmem>>, vector<16xi32>,
    %iota3A_864 = tpu.iota {dimensions = array<i32: 0>} : vector<16xi32>
    %add3A_865 = arith.constant 16 : i32
    %add3A_866 = arith.addi %add3A_854, %add3A_865 : i32
    %add3A_867 = vector.broadcast %add3A_866 : i32 to vector<16xi32>
    %add3A_868 = arith.addi %iota3A_864, %add3A_867 : vector<16xi32>
    %swap3A_869 = arith.constant 16 : index
    %swap3A_870 = tpu.vector_load %arg12[%swap3A_869] {strides = array<i32>} : memref<80xi32, #tpu.memory_space<vmem>>, vector<16xi32>,
    %swap3A_871 = vector.shape_cast %swap3A_870 : vector<16xi32> to vector<16xi32>
    %swap3A_872 = vector.shape_cast %add3A_868 : vector<16xi32> to vector<16xi32>
    tpu.vector_store %arg12[%swap3A_869], %swap3A_872 {strides = array<i32>} : memref<80xi32, #tpu.memory_space<vmem>>, vector<16xi32>,
    %iota3A_873 = tpu.iota {dimensions = array<i32: 0>} : vector<16xi32>
    %add3A_874 = arith.constant 32 : i32
    %add3A_875 = arith.addi %add3A_854, %add3A_874 : i32
    %add3A_876 = vector.broadcast %add3A_875 : i32 to vector<16xi32>
    %add3A_877 = arith.addi %iota3A_873, %add3A_876 : vector<16xi32>
    %swap3A_878 = arith.constant 32 : index
    %swap3A_879 = tpu.vector_load %arg12[%swap3A_878] {strides = array<i32>} : memref<80xi32, #tpu.memory_space<vmem>>, vector<16xi32>,
    %swap3A_880 = vector.shape_cast %swap3A_879 : vector<16xi32> to vector<16xi32>
    %swap3A_881 = vector.shape_cast %add3A_877 : vector<16xi32> to vector<16xi32>
    tpu.vector_store %arg12[%swap3A_878], %swap3A_881 {strides = array<i32>} : memref<80xi32, #tpu.memory_space<vmem>>, vector<16xi32>,
    %iota3A_882 = tpu.iota {dimensions = array<i32: 0>} : vector<16xi32>
    %add3A_883 = arith.constant 48 : i32
    %add3A_884 = arith.addi %add3A_854, %add3A_883 : i32
    %add3A_885 = vector.broadcast %add3A_884 : i32 to vector<16xi32>
    %add3A_886 = arith.addi %iota3A_882, %add3A_885 : vector<16xi32>
    %swap3A_887 = arith.constant 48 : index
    %swap3A_888 = tpu.vector_load %arg12[%swap3A_887] {strides = array<i32>} : memref<80xi32, #tpu.memory_space<vmem>>, vector<16xi32>,
    %swap3A_889 = vector.shape_cast %swap3A_888 : vector<16xi32> to vector<16xi32>
    %swap3A_890 = vector.shape_cast %add3A_886 : vector<16xi32> to vector<16xi32>
    tpu.vector_store %arg12[%swap3A_887], %swap3A_890 {strides = array<i32>} : memref<80xi32, #tpu.memory_space<vmem>>, vector<16xi32>,
    %iota3A_891 = tpu.iota {dimensions = array<i32: 0>} : vector<16xi32>
    %add3A_892 = arith.constant 64 : i32
    %add3A_893 = arith.addi %add3A_854, %add3A_892 : i32
    %add3A_894 = vector.broadcast %add3A_893 : i32 to vector<16xi32>
    %add3A_895 = arith.addi %iota3A_891, %add3A_894 : vector<16xi32>
    %swap3A_896 = arith.constant 64 : index
    %swap3A_897 = tpu.vector_load %arg12[%swap3A_896] {strides = array<i32>} : memref<80xi32, #tpu.memory_space<vmem>>, vector<16xi32>,
    %swap3A_898 = vector.shape_cast %swap3A_897 : vector<16xi32> to vector<16xi32>
    %swap3A_899 = vector.shape_cast %add3A_895 : vector<16xi32> to vector<16xi32>
    tpu.vector_store %arg12[%swap3A_896], %swap3A_899 {strides = array<i32>} : memref<80xi32, #tpu.memory_space<vmem>>, vector<16xi32>,
    %dma_start3A_900 = arith.constant 0 : i32
    %dma_start3A_901 = arith.constant 0 : i32
    %dma_start3A_902 = tpu.memref_slice %arg13[%dma_start3A_900, %dma_start3A_901] : memref<10240x128xf32, #tpu.memory_space<vmem_shared>> -> memref<10240x128xf32, #tpu.memory_space<vmem_shared>>
    tpu.enqueue_indirect_dma source(%dma_start3A_902 : memref<10240x128xf32, #tpu.memory_space<vmem_shared>>) target(%arg10 : memref<80x128xf32, #tpu.memory_space<vmem>>) offsets(%arg12 : memref<80xi32, #tpu.memory_space<vmem>>) semaphore(%arg14 : memref<!tpu.dma_semaphore, #tpu.memory_space<semaphore_mem>>)
    %dma_wait3A_903 = arith.constant 0 : i32
    %dma_wait3A_904 = arith.constant 0 : i32
    %dma_wait3A_905 = tpu.memref_slice %arg13[%dma_wait3A_903, %dma_wait3A_904] : memref<10240x128xf32, #tpu.memory_space<vmem_shared>> -> memref<10240x128xf32, #tpu.memory_space<vmem_shared>>
    tpu.wait_indirect_dma semaphore(%arg15 : memref<!tpu.dma_semaphore, #tpu.memory_space<semaphore_mem>>) src(%dma_wait3A_905 : memref<10240x128xf32, #tpu.memory_space<vmem_shared>>) dst(%arg11 : memref<80x128xf32, #tpu.memory_space<vmem>>)
    %add3A_906 = arith.constant 400 : i32
    %add3A_907 = arith.addi %mul3A_2, %add3A_906 : i32
    %dma_start3A_908 = arith.constant 0 : i32
    %dma_start3A_909 = tpu.memref_slice %arg5[%arg0, %add3A_907, %dma_start3A_908] : memref<2x10240x128xf32, #tpu.memory_space<hbm>> -> memref<1x80x128xf32, #tpu.memory_space<hbm>>
    %dma_start3A_910 = tpu.memref_squeeze %dma_start3A_909 : memref<1x80x128xf32, #tpu.memory_space<hbm>> -> memref<80x128xf32, #tpu.memory_space<hbm>>
    %dma_start3A_911 = arith.constant 0 : i32
    %dma_start3A_912 = tpu.memref_slice %arg5[%arg0, %add3A_907, %dma_start3A_911] : memref<2x10240x128xf32, #tpu.memory_space<hbm>> -> memref<1x80x128xf32, #tpu.memory_space<hbm>>
    %dma_start3A_913 = tpu.memref_squeeze %dma_start3A_912 : memref<1x80x128xf32, #tpu.memory_space<hbm>> -> memref<80x128xf32, #tpu.memory_space<hbm>>
    tpu.enqueue_dma source(%arg11 : memref<80x128xf32, #tpu.memory_space<vmem>>) target(%dma_start3A_913 : memref<80x128xf32, #tpu.memory_space<hbm>>) target_semaphore(%arg17 : memref<!tpu.dma_semaphore, #tpu.memory_space<semaphore_mem>>)
    %add3A_914 = arith.constant 400 : i32
    %add3A_915 = arith.addi %mul3A_2, %add3A_914 : i32
    %dma_wait3A_916 = arith.constant 0 : i32
    %dma_wait3A_917 = tpu.memref_slice %arg5[%arg0, %add3A_915, %dma_wait3A_916] : memref<2x10240x128xf32, #tpu.memory_space<hbm>> -> memref<1x80x128xf32, #tpu.memory_space<hbm>>
    %dma_wait3A_918 = tpu.memref_squeeze %dma_wait3A_917 : memref<1x80x128xf32, #tpu.memory_space<hbm>> -> memref<80x128xf32, #tpu.memory_space<hbm>>
    %dma_wait3A_919 = arith.constant 0 : i32
    %dma_wait3A_920 = tpu.memref_slice %arg5[%arg0, %add3A_915, %dma_wait3A_919] : memref<2x10240x128xf32, #tpu.memory_space<hbm>> -> memref<1x80x128xf32, #tpu.memory_space<hbm>>
    %dma_wait3A_921 = tpu.memref_squeeze %dma_wait3A_920 : memref<1x80x128xf32, #tpu.memory_space<hbm>> -> memref<80x128xf32, #tpu.memory_space<hbm>>
    tpu.wait_dma2 semaphore(%arg17 : memref<!tpu.dma_semaphore, #tpu.memory_space<semaphore_mem>>) src(%arg11 : memref<80x128xf32, #tpu.memory_space<vmem>>) dst(%dma_wait3A_921 : memref<80x128xf32, #tpu.memory_space<hbm>>)
    %add3A_922 = arith.constant 560 : i32
    %add3A_923 = arith.addi %mul3A_2, %add3A_922 : i32
    %iota3A_924 = tpu.iota {dimensions = array<i32: 0>} : vector<16xi32>
    %add3A_925 = arith.constant 0 : i32
    %add3A_926 = arith.addi %add3A_923, %add3A_925 : i32
    %add3A_927 = vector.broadcast %add3A_926 : i32 to vector<16xi32>
    %add3A_928 = arith.addi %iota3A_924, %add3A_927 : vector<16xi32>
    %swap3A_929 = arith.constant 0 : index
    %swap3A_930 = tpu.vector_load %arg8[%swap3A_929] {strides = array<i32>} : memref<80xi32, #tpu.memory_space<vmem>>, vector<16xi32>,
    %swap3A_931 = vector.shape_cast %swap3A_930 : vector<16xi32> to vector<16xi32>
    %swap3A_932 = vector.shape_cast %add3A_928 : vector<16xi32> to vector<16xi32>
    tpu.vector_store %arg8[%swap3A_929], %swap3A_932 {strides = array<i32>} : memref<80xi32, #tpu.memory_space<vmem>>, vector<16xi32>,
    %iota3A_933 = tpu.iota {dimensions = array<i32: 0>} : vector<16xi32>
    %add3A_934 = arith.constant 16 : i32
    %add3A_935 = arith.addi %add3A_923, %add3A_934 : i32
    %add3A_936 = vector.broadcast %add3A_935 : i32 to vector<16xi32>
    %add3A_937 = arith.addi %iota3A_933, %add3A_936 : vector<16xi32>
    %swap3A_938 = arith.constant 16 : index
    %swap3A_939 = tpu.vector_load %arg8[%swap3A_938] {strides = array<i32>} : memref<80xi32, #tpu.memory_space<vmem>>, vector<16xi32>,
    %swap3A_940 = vector.shape_cast %swap3A_939 : vector<16xi32> to vector<16xi32>
    %swap3A_941 = vector.shape_cast %add3A_937 : vector<16xi32> to vector<16xi32>
    tpu.vector_store %arg8[%swap3A_938], %swap3A_941 {strides = array<i32>} : memref<80xi32, #tpu.memory_space<vmem>>, vector<16xi32>,
    %iota3A_942 = tpu.iota {dimensions = array<i32: 0>} : vector<16xi32>
    %add3A_943 = arith.constant 32 : i32
    %add3A_944 = arith.addi %add3A_923, %add3A_943 : i32
    %add3A_945 = vector.broadcast %add3A_944 : i32 to vector<16xi32>
    %add3A_946 = arith.addi %iota3A_942, %add3A_945 : vector<16xi32>
    %swap3A_947 = arith.constant 32 : index
    %swap3A_948 = tpu.vector_load %arg8[%swap3A_947] {strides = array<i32>} : memref<80xi32, #tpu.memory_space<vmem>>, vector<16xi32>,
    %swap3A_949 = vector.shape_cast %swap3A_948 : vector<16xi32> to vector<16xi32>
    %swap3A_950 = vector.shape_cast %add3A_946 : vector<16xi32> to vector<16xi32>
    tpu.vector_store %arg8[%swap3A_947], %swap3A_950 {strides = array<i32>} : memref<80xi32, #tpu.memory_space<vmem>>, vector<16xi32>,
    %iota3A_951 = tpu.iota {dimensions = array<i32: 0>} : vector<16xi32>
    %add3A_952 = arith.constant 48 : i32
    %add3A_953 = arith.addi %add3A_923, %add3A_952 : i32
    %add3A_954 = vector.broadcast %add3A_953 : i32 to vector<16xi32>
    %add3A_955 = arith.addi %iota3A_951, %add3A_954 : vector<16xi32>
    %swap3A_956 = arith.constant 48 : index
    %swap3A_957 = tpu.vector_load %arg8[%swap3A_956] {strides = array<i32>} : memref<80xi32, #tpu.memory_space<vmem>>, vector<16xi32>,
    %swap3A_958 = vector.shape_cast %swap3A_957 : vector<16xi32> to vector<16xi32>
    %swap3A_959 = vector.shape_cast %add3A_955 : vector<16xi32> to vector<16xi32>
    tpu.vector_store %arg8[%swap3A_956], %swap3A_959 {strides = array<i32>} : memref<80xi32, #tpu.memory_space<vmem>>, vector<16xi32>,
    %iota3A_960 = tpu.iota {dimensions = array<i32: 0>} : vector<16xi32>
    %add3A_961 = arith.constant 64 : i32
    %add3A_962 = arith.addi %add3A_923, %add3A_961 : i32
    %add3A_963 = vector.broadcast %add3A_962 : i32 to vector<16xi32>
    %add3A_964 = arith.addi %iota3A_960, %add3A_963 : vector<16xi32>
    %swap3A_965 = arith.constant 64 : index
    %swap3A_966 = tpu.vector_load %arg8[%swap3A_965] {strides = array<i32>} : memref<80xi32, #tpu.memory_space<vmem>>, vector<16xi32>,
    %swap3A_967 = vector.shape_cast %swap3A_966 : vector<16xi32> to vector<16xi32>
    %swap3A_968 = vector.shape_cast %add3A_964 : vector<16xi32> to vector<16xi32>
    tpu.vector_store %arg8[%swap3A_965], %swap3A_968 {strides = array<i32>} : memref<80xi32, #tpu.memory_space<vmem>>, vector<16xi32>,
    %dma_start3A_969 = arith.constant 0 : i32
    %dma_start3A_970 = arith.constant 0 : i32
    %dma_start3A_971 = tpu.memref_slice %arg13[%dma_start3A_969, %dma_start3A_970] : memref<10240x128xf32, #tpu.memory_space<vmem_shared>> -> memref<10240x128xf32, #tpu.memory_space<vmem_shared>>
    tpu.enqueue_indirect_dma source(%dma_start3A_971 : memref<10240x128xf32, #tpu.memory_space<vmem_shared>>) target(%arg11 : memref<80x128xf32, #tpu.memory_space<vmem>>) offsets(%arg8 : memref<80xi32, #tpu.memory_space<vmem>>) semaphore(%arg15 : memref<!tpu.dma_semaphore, #tpu.memory_space<semaphore_mem>>)
    %dma_wait3A_972 = arith.constant 0 : i32
    %dma_wait3A_973 = arith.constant 0 : i32
    %dma_wait3A_974 = tpu.memref_slice %arg13[%dma_wait3A_972, %dma_wait3A_973] : memref<10240x128xf32, #tpu.memory_space<vmem_shared>> -> memref<10240x128xf32, #tpu.memory_space<vmem_shared>>
    tpu.wait_indirect_dma semaphore(%arg14 : memref<!tpu.dma_semaphore, #tpu.memory_space<semaphore_mem>>) src(%dma_wait3A_974 : memref<10240x128xf32, #tpu.memory_space<vmem_shared>>) dst(%arg10 : memref<80x128xf32, #tpu.memory_space<vmem>>)
    %add3A_975 = arith.constant 480 : i32
    %add3A_976 = arith.addi %mul3A_2, %add3A_975 : i32
    %dma_start3A_977 = arith.constant 0 : i32
    %dma_start3A_978 = tpu.memref_slice %arg5[%arg0, %add3A_976, %dma_start3A_977] : memref<2x10240x128xf32, #tpu.memory_space<hbm>> -> memref<1x80x128xf32, #tpu.memory_space<hbm>>
    %dma_start3A_979 = tpu.memref_squeeze %dma_start3A_978 : memref<1x80x128xf32, #tpu.memory_space<hbm>> -> memref<80x128xf32, #tpu.memory_space<hbm>>
    %dma_start3A_980 = arith.constant 0 : i32
    %dma_start3A_981 = tpu.memref_slice %arg5[%arg0, %add3A_976, %dma_start3A_980] : memref<2x10240x128xf32, #tpu.memory_space<hbm>> -> memref<1x80x128xf32, #tpu.memory_space<hbm>>
    %dma_start3A_982 = tpu.memref_squeeze %dma_start3A_981 : memref<1x80x128xf32, #tpu.memory_space<hbm>> -> memref<80x128xf32, #tpu.memory_space<hbm>>
    tpu.enqueue_dma source(%arg10 : memref<80x128xf32, #tpu.memory_space<vmem>>) target(%dma_start3A_982 : memref<80x128xf32, #tpu.memory_space<hbm>>) target_semaphore(%arg16 : memref<!tpu.dma_semaphore, #tpu.memory_space<semaphore_mem>>)
    %dma_wait3A_983 = arith.constant 0 : i32
    %dma_wait3A_984 = arith.constant 0 : i32
    %dma_wait3A_985 = tpu.memref_slice %arg13[%dma_wait3A_983, %dma_wait3A_984] : memref<10240x128xf32, #tpu.memory_space<vmem_shared>> -> memref<10240x128xf32, #tpu.memory_space<vmem_shared>>
    tpu.wait_indirect_dma semaphore(%arg15 : memref<!tpu.dma_semaphore, #tpu.memory_space<semaphore_mem>>) src(%dma_wait3A_985 : memref<10240x128xf32, #tpu.memory_space<vmem_shared>>) dst(%arg11 : memref<80x128xf32, #tpu.memory_space<vmem>>)
    %add3A_986 = arith.constant 560 : i32
    %add3A_987 = arith.addi %mul3A_2, %add3A_986 : i32
    %dma_start3A_988 = arith.constant 0 : i32
    %dma_start3A_989 = tpu.memref_slice %arg5[%arg0, %add3A_987, %dma_start3A_988] : memref<2x10240x128xf32, #tpu.memory_space<hbm>> -> memref<1x80x128xf32, #tpu.memory_space<hbm>>
    %dma_start3A_990 = tpu.memref_squeeze %dma_start3A_989 : memref<1x80x128xf32, #tpu.memory_space<hbm>> -> memref<80x128xf32, #tpu.memory_space<hbm>>
    %dma_start3A_991 = arith.constant 0 : i32
    %dma_start3A_992 = tpu.memref_slice %arg5[%arg0, %add3A_987, %dma_start3A_991] : memref<2x10240x128xf32, #tpu.memory_space<hbm>> -> memref<1x80x128xf32, #tpu.memory_space<hbm>>
    %dma_start3A_993 = tpu.memref_squeeze %dma_start3A_992 : memref<1x80x128xf32, #tpu.memory_space<hbm>> -> memref<80x128xf32, #tpu.memory_space<hbm>>
    tpu.enqueue_dma source(%arg11 : memref<80x128xf32, #tpu.memory_space<vmem>>) target(%dma_start3A_993 : memref<80x128xf32, #tpu.memory_space<hbm>>) target_semaphore(%arg17 : memref<!tpu.dma_semaphore, #tpu.memory_space<semaphore_mem>>)
    %add3A_994 = arith.constant 480 : i32
    %add3A_995 = arith.addi %mul3A_2, %add3A_994 : i32
    %dma_wait3A_996 = arith.constant 0 : i32
    %dma_wait3A_997 = tpu.memref_slice %arg5[%arg0, %add3A_995, %dma_wait3A_996] : memref<2x10240x128xf32, #tpu.memory_space<hbm>> -> memref<1x80x128xf32, #tpu.memory_space<hbm>>
    %dma_wait3A_998 = tpu.memref_squeeze %dma_wait3A_997 : memref<1x80x128xf32, #tpu.memory_space<hbm>> -> memref<80x128xf32, #tpu.memory_space<hbm>>
    %dma_wait3A_999 = arith.constant 0 : i32
    %dma_wait3A_1000 = tpu.memref_slice %arg5[%arg0, %add3A_995, %dma_wait3A_999] : memref<2x10240x128xf32, #tpu.memory_space<hbm>> -> memref<1x80x128xf32, #tpu.memory_space<hbm>>
    %dma_wait3A_1001 = tpu.memref_squeeze %dma_wait3A_1000 : memref<1x80x128xf32, #tpu.memory_space<hbm>> -> memref<80x128xf32, #tpu.memory_space<hbm>>
    tpu.wait_dma2 semaphore(%arg16 : memref<!tpu.dma_semaphore, #tpu.memory_space<semaphore_mem>>) src(%arg10 : memref<80x128xf32, #tpu.memory_space<vmem>>) dst(%dma_wait3A_1001 : memref<80x128xf32, #tpu.memory_space<hbm>>)
    %add3A_1002 = arith.constant 560 : i32
    %add3A_1003 = arith.addi %mul3A_2, %add3A_1002 : i32
    %dma_wait3A_1004 = arith.constant 0 : i32
    %dma_wait3A_1005 = tpu.memref_slice %arg5[%arg0, %add3A_1003, %dma_wait3A_1004] : memref<2x10240x128xf32, #tpu.memory_space<hbm>> -> memref<1x80x128xf32, #tpu.memory_space<hbm>>
    %dma_wait3A_1006 = tpu.memref_squeeze %dma_wait3A_1005 : memref<1x80x128xf32, #tpu.memory_space<hbm>> -> memref<80x128xf32, #tpu.memory_space<hbm>>
    %dma_wait3A_1007 = arith.constant 0 : i32
    %dma_wait3A_1008 = tpu.memref_slice %arg5[%arg0, %add3A_1003, %dma_wait3A_1007] : memref<2x10240x128xf32, #tpu.memory_space<hbm>> -> memref<1x80x128xf32, #tpu.memory_space<hbm>>
    %dma_wait3A_1009 = tpu.memref_squeeze %dma_wait3A_1008 : memref<1x80x128xf32, #tpu.memory_space<hbm>> -> memref<80x128xf32, #tpu.memory_space<hbm>>
    tpu.wait_dma2 semaphore(%arg17 : memref<!tpu.dma_semaphore, #tpu.memory_space<semaphore_mem>>) src(%arg11 : memref<80x128xf32, #tpu.memory_space<vmem>>) dst(%dma_wait3A_1009 : memref<80x128xf32, #tpu.memory_space<hbm>>)
    return
  }
}

module attributes {stable_mosaic.version = 14 : i64} {
  func.func @_tc_proj_body(%arg0: i32, %arg1: memref<1000x128xf32, #tpu.memory_space<vmem>>, %arg2: memref<128x128xf32, #tpu.memory_space<vmem>>, %arg3: memref<1x128xf32, #tpu.memory_space<vmem>>, %arg4: memref<1000x128xf32, #tpu.memory_space<vmem>>) attributes {dimension_semantics = [#tpu.dimension_semantics<arbitrary>], iteration_bounds = array<i64: 10>, scalar_prefetch = 0 : i64, scratch_operands = 0 : i64, tpu.core_type = #tpu.core_type<tc>, window_params = [{transform_indices = @transform_0, window_bounds = array<i64: 1000, 128>}, {pipeline_mode = #tpu.pipeline_mode<synchronous>, transform_indices = @transform_1, window_bounds = array<i64: 128, 128>}, {pipeline_mode = #tpu.pipeline_mode<synchronous>, transform_indices = @transform_2, window_bounds = array<i64: 1, 128>}, {transform_indices = @transform_3, window_bounds = array<i64: 1000, 128>}]} {
    %get3A = arith.constant 0 : index
    %get3A_0 = arith.constant 0 : index
    %get3A_1 = vector.load %arg1[%get3A, %get3A_0] : memref<1000x128xf32, #tpu.memory_space<vmem>>, vector<1000x128xf32>
    %get3A_2 = arith.constant 0 : index
    %get3A_3 = arith.constant 0 : index
    %get3A_4 = vector.load %arg2[%get3A_2, %get3A_3] : memref<128x128xf32, #tpu.memory_space<vmem>>, vector<128x128xf32>
    %dot_general3A = arith.constant dense<0.000000e+00> : vector<1000x128xf32>
    %dot_general3A_5 = tpu.matmul %get3A_1, %get3A_4, %dot_general3A {dimension_numbers = #tpu.dot_dimension_numbers<[1], [0], [0], [1], [0, 0, 1, 1], [], []>, precision = #tpu.contract_precision<fp32>, transpose_lhs_hint = false} : vector<1000x128xf32>, vector<128x128xf32>, vector<1000x128xf32> -> vector<1000x128xf32>
    %get3A_6 = arith.constant 0 : index
    %get3A_7 = arith.constant 0 : index
    %get3A_8 = vector.load %arg3[%get3A_6, %get3A_7] : memref<1x128xf32, #tpu.memory_space<vmem>>, vector<1x128xf32>
    %add3A = vector.broadcast %get3A_8 : vector<1x128xf32> to vector<1000x128xf32>
    %add3A_9 = arith.addf %dot_general3A_5, %add3A : vector<1000x128xf32>
    %swap3A = arith.constant 0 : index
    %swap3A_10 = arith.constant 0 : index
    %swap3A_11 = vector.load %arg4[%swap3A, %swap3A_10] : memref<1000x128xf32, #tpu.memory_space<vmem>>, vector<1000x128xf32>
    tpu.vector_store %arg4[%swap3A, %swap3A_10], %add3A_9 {strides = array<i32>} : memref<1000x128xf32, #tpu.memory_space<vmem>>, vector<1000x128xf32>,
    return
  }
  func.func @transform_0(%arg0: i32) -> (i32, i32) {
    %c0_i32 = arith.constant 0 : i32
    %c0_i32_0 = arith.constant 0 : i32
    return %arg0, %c0_i32 : i32, i32
  }
  func.func @transform_1(%arg0: i32) -> (i32, i32) {
    %c0_i32 = arith.constant 0 : i32
    %c0_i32_0 = arith.constant 0 : i32
    %c0_i32_1 = arith.constant 0 : i32
    return %c0_i32, %c0_i32_0 : i32, i32
  }
  func.func @transform_2(%arg0: i32) -> (i32, i32) {
    %c0_i32 = arith.constant 0 : i32
    %c0_i32_0 = arith.constant 0 : i32
    %c0_i32_1 = arith.constant 0 : i32
    return %c0_i32, %c0_i32_0 : i32, i32
  }
  func.func @transform_3(%arg0: i32) -> (i32, i32) {
    %c0_i32 = arith.constant 0 : i32
    %c0_i32_0 = arith.constant 0 : i32
    return %arg0, %c0_i32 : i32, i32
  }
}

module attributes {stable_mosaic.version = 14 : i64} {
  func.func @_tc_out_body(%arg0: i32, %arg1: memref<2x1000x128xf32, #tpu.memory_space<vmem>>, %arg2: memref<1000x128xf32, #tpu.memory_space<vmem>>, %arg3: memref<128x126xf32, #tpu.memory_space<vmem>>, %arg4: memref<1x126xf32, #tpu.memory_space<vmem>>, %arg5: memref<1000x126xf32, #tpu.memory_space<vmem>>) attributes {dimension_semantics = [#tpu.dimension_semantics<arbitrary>], iteration_bounds = array<i64: 10>, scalar_prefetch = 0 : i64, scratch_operands = 0 : i64, tpu.core_type = #tpu.core_type<tc>, window_params = [{transform_indices = @transform_0, window_bounds = array<i64: 2, 1000, 128>}, {transform_indices = @transform_1, window_bounds = array<i64: 1000, 128>}, {pipeline_mode = #tpu.pipeline_mode<synchronous>, transform_indices = @transform_2, window_bounds = array<i64: 128, 126>}, {pipeline_mode = #tpu.pipeline_mode<synchronous>, transform_indices = @transform_3, window_bounds = array<i64: 1, 126>}, {transform_indices = @transform_4, window_bounds = array<i64: 1000, 126>}]} {
    %get3A = arith.constant 0 : index
    %get3A_0 = arith.constant 0 : index
    %get3A_1 = arith.constant 0 : index
    %get3A_2 = vector.load %arg1[%get3A, %get3A_0, %get3A_1] : memref<2x1000x128xf32, #tpu.memory_space<vmem>>, vector<1x1000x128xf32>
    %get3A_3 = vector.shape_cast %get3A_2 : vector<1x1000x128xf32> to vector<1000x128xf32>
    %get3A_4 = arith.constant 1 : index
    %get3A_5 = arith.constant 0 : index
    %get3A_6 = arith.constant 0 : index
    %get3A_7 = vector.load %arg1[%get3A_4, %get3A_5, %get3A_6] : memref<2x1000x128xf32, #tpu.memory_space<vmem>>, vector<1x1000x128xf32>
    %get3A_8 = vector.shape_cast %get3A_7 : vector<1x1000x128xf32> to vector<1000x128xf32>
    %add3A = arith.addf %get3A_3, %get3A_8 : vector<1000x128xf32>
    %slice3A = vector.extract_strided_slice %add3A {offsets = [0, 126], sizes = [1000, 1], strides = [1, 1]} : vector<1000x128xf32> to vector<1000x1xf32>
    %max3A = arith.constant 1.000000e+00 : f32
    %max3A_9 = vector.broadcast %max3A : f32 to vector<1000x1xf32>
    %max3A_10 = arith.maximumf %slice3A, %max3A_9 : vector<1000x1xf32>
    %slice3A_11 = vector.extract_strided_slice %add3A {offsets = [0, 0], sizes = [1000, 126], strides = [1, 1]} : vector<1000x128xf32> to vector<1000x126xf32>
    %div3A = vector.broadcast %max3A_10 : vector<1000x1xf32> to vector<1000x126xf32>
    %div3A_12 = arith.divf %slice3A_11, %div3A : vector<1000x126xf32>
    %get3A_13 = arith.constant 0 : index
    %get3A_14 = arith.constant 0 : index
    %get3A_15 = vector.load %arg2[%get3A_13, %get3A_14] : memref<1000x128xf32, #tpu.memory_space<vmem>>, vector<1000x128xf32>
    %get3A_16 = arith.constant 0 : index
    %get3A_17 = arith.constant 0 : index
    %get3A_18 = vector.load %arg3[%get3A_16, %get3A_17] : memref<128x126xf32, #tpu.memory_space<vmem>>, vector<128x126xf32>
    %dot_general3A = arith.constant dense<0.000000e+00> : vector<1000x126xf32>
    %dot_general3A_19 = tpu.matmul %get3A_15, %get3A_18, %dot_general3A {dimension_numbers = #tpu.dot_dimension_numbers<[1], [0], [0], [1], [0, 0, 1, 1], [], []>, precision = #tpu.contract_precision<fp32>, transpose_lhs_hint = false} : vector<1000x128xf32>, vector<128x126xf32>, vector<1000x126xf32> -> vector<1000x126xf32>
    %add3A_20 = arith.addf %div3A_12, %dot_general3A_19 : vector<1000x126xf32>
    %get3A_21 = arith.constant 0 : index
    %get3A_22 = arith.constant 0 : index
    %get3A_23 = vector.load %arg4[%get3A_21, %get3A_22] : memref<1x126xf32, #tpu.memory_space<vmem>>, vector<1x126xf32>
    %add3A_24 = vector.broadcast %get3A_23 : vector<1x126xf32> to vector<1000x126xf32>
    %add3A_25 = arith.addf %add3A_20, %add3A_24 : vector<1000x126xf32>
    %max3A_26 = arith.constant 0.000000e+00 : f32
    %max3A_27 = vector.broadcast %max3A_26 : f32 to vector<1000x126xf32>
    %max3A_28 = arith.maximumf %add3A_25, %max3A_27 : vector<1000x126xf32>
    %swap3A = arith.constant 0 : index
    %swap3A_29 = arith.constant 0 : index
    %swap3A_30 = vector.load %arg5[%swap3A, %swap3A_29] : memref<1000x126xf32, #tpu.memory_space<vmem>>, vector<1000x126xf32>
    tpu.vector_store %arg5[%swap3A, %swap3A_29], %max3A_28 {strides = array<i32>} : memref<1000x126xf32, #tpu.memory_space<vmem>>, vector<1000x126xf32>,
    return
  }
  func.func @transform_0(%arg0: i32) -> (i32, i32, i32) {
    %c0_i32 = arith.constant 0 : i32
    %c0_i32_0 = arith.constant 0 : i32
    %c0_i32_1 = arith.constant 0 : i32
    return %c0_i32, %arg0, %c0_i32_0 : i32, i32, i32
  }
  func.func @transform_1(%arg0: i32) -> (i32, i32) {
    %c0_i32 = arith.constant 0 : i32
    %c0_i32_0 = arith.constant 0 : i32
    return %arg0, %c0_i32 : i32, i32
  }
  func.func @transform_2(%arg0: i32) -> (i32, i32) {
    %c0_i32 = arith.constant 0 : i32
    %c0_i32_0 = arith.constant 0 : i32
    %c0_i32_1 = arith.constant 0 : i32
    return %c0_i32, %c0_i32_0 : i32, i32
  }
  func.func @transform_3(%arg0: i32) -> (i32, i32) {
    %c0_i32 = arith.constant 0 : i32
    %c0_i32_0 = arith.constant 0 : i32
    %c0_i32_1 = arith.constant 0 : i32
    return %c0_i32, %c0_i32_0 : i32, i32
  }
  func.func @transform_4(%arg0: i32) -> (i32, i32) {
    %c0_i32 = arith.constant 0 : i32
    %c0_i32_0 = arith.constant 0 : i32
    return %arg0, %c0_i32 : i32, i32
  }
}

</mosaic_0001>

<sc_bundles>
// kernel: kernel.5.cloned.1.call-start
scs
__scs_entry_jumppad:
0x0: {  	(pc) =	sbr.rel $0x88, $3  }
0x1: {  	(tag) =	ssettag $0x0;
	lr =	simm.s32 $0x1  }
0x2: {  	[smem:$0x3F9C] =	sst lr;
	_ =	strace $0xD0000000  }
0x3: {  	_ = 	snop  }
0x4: {  	_ = 	snop  }
0x5: {  	_ = 	snop  }
0x6: {  	_ = 	snop  }
0x7: {  	_ = 	snop  }
__scs_overlays_trampoline_lowered:
0x8: {  	[smem:$0x3FAB] =	sst s0  }
0x9: {  	[smem:$0x3FAC] =	sst s1  }
0xa: {  	[smem:$0x3FAD] =	sst s2  }
0xb: {  	[smem:$0x3FAE] =	sst s3  }
0xc: {  	[smem:$0x3FAF] =	sst s4  }
0xd: {  	[smem:$0x3FB0] =	sst s5  }
0xe: {  	[smem:$0x3FB1] =	sst s6  }
0xf: {  	[smem:$0x3FB2] =	sst s7  }
0x10: {  	[smem:$0x3FB3] =	sst s8  }
0x11: {  	[smem:$0x3FB4] =	sst s9;
	s0 =	simm.s32 @!p0 $0x0  }
0x12: {  	s1 =	sld [smem:$0x3F9A];
	s0 =	simm.s32 @p0 $0x1  }
0x13: {  	[smem:$0x3FB5] =	sst s0;
	s0 =	simm.s32 @!p1 $0x0  }
0x14: {  	s2 =	sld [smem:$0x3F99];
	s0 =	simm.s32 @p1 $0x1  }
0x15: {  	[smem:$0x3FB6] =	sst s0;
	s0 =	simm.s32 @!p2 $0x0  }
0x16: {  	s3 =	sld [smem:$0x3FDB];
	s0 =	simm.s32 @p2 $0x1  }
0x17: {  	s4 =	simm.s32 $0x1BF5;
	[smem:$0x3FB8] =	sst s0  }
0x18: {  	s0 =	sld [smem:$0x3F9B];
	_ =	swait.ge [sflag:s4], $0x0  }
0x19: {  	s7 =	sld [smem:$0x3F9C]  }
0x1a: {  	s8 =	sadd.s32 $0xFFFFE003, lr  }
0x1b: {  	s9 =	sadd.s32 $0xFFFFFEF7, lr;
	s5 =	simm.s32 $0xFFFFFFFF;
	p2 =	slt.u32 s8, $0xFFFFF086  }
0x1c: {  	p1 =	slt.u32 s9, $0xF7A;
	s5 =	simm.s32 @!p2 $0x0  }
0x1d: {  	s5 =	simm.s32 @p1 $0x1;
	p0 =	seq.s32 s7, s2  }
0x1e: {  	s7 =	smul.u32 @!p0 $0xF7A, s2;
	p2 =	seq.s32 @!p0 s5, $0x0  }
0x1f: {  	s9 =	smul.u32 $0xF7A, s1;
	s8 =	simm.s32 @!p0 $0x1BF5;
	p2 =	por !p2, p0  }
0x20: {  	[sflag:s8] =	ssyncset.s32 @!p0 $0xFFFFF086;
	s6 =	sadd.s32 @!p0 s3, s7;
	s7 =	simm.s32 @!p0 $0x108  }
0x21: {  	s3 =	sadd.s32 s3, s9;
	s6 =	sadd.s32 @!p0 $0x88, s6;
	s7 =	simm.s32 @p2 $0x1082  }
0x22: {  	[simem:s7], [sflag:s8] =	dma.local @!p0 [hbm:s6], $0xF7A  }
0x23: {  	s9 =	sor.u32 $0xD0000000, s2;
	s6 =	simm.s32 $0x108;
	_ =	swait.ge @!p0 [sflag:s8], $0x0  }
0x24: {  	s3 =	sadd.s32 $0x88, s3;
	s6 =	simm.s32 @!p1 $0x1082;
	[sflag:s4] =	ssyncset.s32 $0xFFFFF086  }
0x25: {  	[simem:s6], [sflag:s4] =	dma.local [hbm:s3], $0xF7A  }
0x26: {  	[smem:$0x3F9C] =	sst s1;
	(tag) =	ssettag s2;
	_ =	strace s9  }
0x27: {  	s1 =	sld [smem:$0x3FAC]  }
0x28: {  	s2 =	sld [smem:$0x3FAD]  }
0x29: {  	s4 =	sld [smem:$0x3FAF]  }
0x2a: {  	p0 =	seq.s32 s5, $0x0;
	s5 =	sld [smem:$0x3FB0]  }
0x2b: {  	s6 =	sld [smem:$0x3FB1]  }
0x2c: {  	s7 =	sld [smem:$0x3FB2]  }
0x2d: {  	s3 =	simm.s32 $0x108;
	s8 =	sld [smem:$0x3FB3]  }
0x2e: {  	s3 =	simm.s32 @!p0 $0x1082;
	s9 =	sld [smem:$0x3FB4]  }
0x2f: {  	lr =	sadd.s32 s0, s3;
	s0 =	sld [smem:$0x3FAB]  }
0x30: {  	s3 =	sld [smem:$0x3FAE]  }
0x31: {  	[smem:$0x3FB7] =	sst s10  }
0x32: {  	s10 =	sld [smem:$0x3FB5];
	_ =	sdelay $0x3  }
0x33: {  	p0 =	seq.s32 s10, $0x1;
	s10 =	sld [smem:$0x3FB7];
	_ =	sdelay $0x3  }
0x34: {  	[smem:$0x3FB7] =	sst s10  }
0x35: {  	s10 =	sld [smem:$0x3FB6];
	_ =	sdelay $0x3  }
0x36: {  	p1 =	seq.s32 s10, $0x1;
	s10 =	sld [smem:$0x3FB7];
	_ =	sdelay $0x3  }
0x37: {  	[smem:$0x3FB7] =	sst s10  }
0x38: {  	s10 =	sld [smem:$0x3FB8]  }
0x39: {  	_ = 	snop;
	(pc) =	sbr.ind lr, $3  }
0x3a: {  	_ = 	snop  }
0x3b: {  	_ = 	snop  }
0x3c: {  	p2 =	seq.s32 s10, $0x1;
	s10 =	sld [smem:$0x3FB7]  }
0x3d: {  	_ =	shalt  }
0x3e: {  	_ =	shalt  }
0x3f: {  	_ =	shalt  }
0x40: {  	_ =	shalt  }
0x41: {  	_ =	shalt  }
0x42: {  	_ =	shalt  }
0x43: {  	_ =	shalt  }
0x44: {  	_ =	shalt  }
0x45: {  	_ =	shalt  }
0x46: {  	_ =	shalt  }
0x47: {  	_ =	shalt  }
0x48: {  	_ =	shalt  }
0x49: {  	_ =	shalt  }
0x4a: {  	_ =	shalt  }
0x4b: {  	_ =	shalt  }
0x4c: {  	_ =	shalt  }
0x4d: {  	_ =	shalt  }
0x4e: {  	_ =	shalt  }
0x4f: {  	_ =	shalt  }
0x50: {  	_ =	shalt  }
0x51: {  	_ =	shalt  }
0x52: {  	_ =	shalt  }
0x53: {  	_ =	shalt  }
0x54: {  	_ =	shalt  }
0x55: {  	_ =	shalt  }
0x56: {  	_ =	shalt  }
0x57: {  	_ =	shalt  }
0x58: {  	_ =	shalt  }
0x59: {  	_ =	shalt  }
0x5a: {  	_ =	shalt  }
0x5b: {  	_ =	shalt  }
0x5c: {  	_ =	shalt  }
0x5d: {  	_ =	shalt  }
0x5e: {  	_ =	shalt  }
0x5f: {  	_ =	shalt  }
0x60: {  	_ =	shalt  }
0x61: {  	_ =	shalt  }
0x62: {  	_ =	shalt  }
0x63: {  	_ =	shalt  }
0x64: {  	_ =	shalt  }
0x65: {  	_ =	shalt  }
0x66: {  	_ =	shalt  }
0x67: {  	_ =	shalt  }
0x68: {  	_ =	shalt  }
0x69: {  	_ =	shalt  }
0x6a: {  	_ =	shalt  }
0x6b: {  	_ =	shalt  }
0x6c: {  	_ =	shalt  }
0x6d: {  	_ =	shalt  }
0x6e: {  	_ =	shalt  }
0x6f: {  	_ =	shalt  }
0x70: {  	_ =	shalt  }
0x71: {  	_ =	shalt  }
0x72: {  	_ =	shalt  }
0x73: {  	_ =	shalt  }
0x74: {  	_ =	shalt  }
0x75: {  	_ =	shalt  }
0x76: {  	_ =	shalt  }
0x77: {  	_ =	shalt  }
0x78: {  	_ =	shalt  }
0x79: {  	_ =	shalt  }
0x7a: {  	_ =	shalt  }
0x7b: {  	_ =	shalt  }
0x7c: {  	_ =	shalt  }
0x7d: {  	_ =	shalt  }
0x7e: {  	_ =	shalt  }
0x7f: {  	_ =	shalt  }
0x80: {  	_ =	shalt  }
0x81: {  	_ =	shalt  }
0x82: {  	_ =	shalt  }
0x83: {  	_ =	shalt  }
0x84: {  	_ =	shalt  }
0x85: {  	_ =	shalt  }
0x86: {  	_ =	shalt  }
0x87: {  	_ =	shalt  }
.Lfunc_end0:
.L_simem_size_0:
called_computation_lowered:
.L_overlay_start_0:
0x88: {  	s2 =	sld [smem:$0x3FD9]  }
0x89: {  	s3 =	sld [smem:$0x3FFE];
	_ =	sdelay $0x1  }
0x8a: {  	s1 =	srdreg.scid  }
0x8b: {  	s0 =	sand.u32 $0x1, s1  }
0x8c: {  	s17 =	sshll.u32 s0, $0xA;
	s2 =	sadd.s32 s3, s2  }
0x8d: {  	s2 =	sadd.s32 s2, s17  }
0x8e: {  	[smem:$0x3FC3] =	sst s2  }
0x8f: {  	_ = 	snop  }
0x90: {  	s2 =	sld [smem:$0x3FD0];
	(tm) =	ssettm $0x1  }
0x91: {  	s18 =	sld [smem:$0x3FFB];
	_ =	sdelay $0x3  }
0x92: {  	_ =	strace s18  }
0x93: {  	s3 =	sld [smem:$0x3FFC];
	_ =	sdelay $0x3  }
0x94: {  	_ =	strace s3  }
0x95: {  	s3 =	sld [smem:$0x3FFD];
	_ =	sdelay $0x3  }
0x96: {  	_ =	strace s3  }
0x97: {  	_ =	strace $0x8FFFFFFF  }
0x98: {  	s19 =	sld [smem:$0x3FDB];
	_ =	sdelay $0x1  }
0x99: {  	s4 =	simm.s32 $_scs_section_size  }
0x9a: {  	s5 =	simm.s32 $_size__tile_overlayer_lowered;
	s6 =	simm.s32 $_tile_overlayer_lowered  }
0x9b: {  	s22 =	simm.s32 $0x1BFF;
	s21 =	sshll.u32 s6, $0x1;
	s3 =	sadd.s32 s4, s19  }
0x9c: {  	s7 =	simm.s32 $0x0;
	s20 =	sshll.u32 s5, $0x1;
	s5 =	sadd.s32 s21, s3  }
0x9d: {  	[timem:s7], [sflag:s22] =	dma.local [hbm:s5], s20  }
0x9e: {  	_ =	swait.ge [sflag:s22], s20  }
0x9f: {  	s4 =	ssub.s32 $0x0, s20;
	[sflag:s22] =	ssyncset.done $0x0  }
0xa0: {  	[sflag:s22] =	ssyncadd.s32 s4;
	_ =	sdelay $0x1  }
0xa1: {  	s23 =	simm.s32 $0x1B8B  }
0xa2: {  	_ =	swait.ge [sflag:s23], $0x1  }
0xa3: {  	[sflag:s23] =	ssyncset.done $0x0  }
0xa4: {  	s25 =	simm.s32 $0x1B8E;
	s24 =	sld [smem:$0x3FFE];
	[sflag:s23] =	ssyncadd.s32 $0xFFFFFFFF  }
0xa5: {  	s26 =	simm.s32 $execute0_lowered;
	[smem:$0x3FD2] =	sst s25  }
0xa6: {  	s5 =	sshll.u32 s26, $0x1;
	_ =	strace $0x80000046;
	[dreg:$0x1] =	wrdreg $0xFFFFFFFF  }
0xa7: {  	s28 =	simm.s32 $_size_execute0_lowered;
	s3 =	sadd.s32 s3, s5;
	[dreg:$0x0] =	wrdreg $0x0  }
0xa8: {  	s5 =	sshll.u32 s28, $0x1;
	[dreg:$0x2] =	wrdreg s3  }
0xa9: {  	[dreg:$0x3] =	wrdreg s5  }
0xaa: {  	[dreg:$0x4] =	wrdreg $0xC0  }
0xab: {  	_ =	task [dreg:s7], $0x5FFFF  }
0xac: {  	[dreg:$0x1] =	wrdreg $0xFFFFFFFF  }
0xad: {  	[dreg:$0x0] =	wrdreg $0x60  }
0xae: {  	[dreg:$0x2] =	wrdreg s2  }
0xaf: {  	[dreg:$0x3] =	wrdreg s24  }
0xb0: {  	[dreg:$0x4] =	wrdreg $0x52800  }
0xb1: {  	[dreg:$0x5] =	wrdreg $0x9  }
0xb2: {  	_ =	task.clear_ibuf [dreg:s7], $0x6FFFF;
	_ =	strace $0x90000046  }
0xb3: {  	s29 =	simm.s32 $0x9;
	_ =	strace $0x80000048  }
0xb4: {  	_ =	swait.ge [sflag:s29], $0x1  }
0xb5: {  	[sflag:s29] =	ssyncadd.s32 $0xFFFFFFFF  }
0xb6: {  	_ =	strace $0x90000048  }
0xb7: {  	_ =	sfence  }
0xb8: {  	s30 =	sld [smem:$0x0];
	_ =	sdelay $0x2  }
0xb9: {  	s31 =	sshll.u32 s1, $0xD;
	s1 =	sshrl.u32 s1, $0x2  }
0xba: {  	s3 =	sand.u32 $0x4000, s31;
	s1 =	sadd.s32 s1, s30  }
0xbb: {  	s0 =	sor.u32 s3, s0;
	s1 =	sshll.u32 s1, $0x11  }
0xbc: {  	s0 =	sor.u32 s1, s0  }
0xbd: {  	s0 =	sadd.s32 $0x8F2B, s0  }
0xbe: {  	[sflag:s0] =	ssyncadd.remote.s32 $0x1  }
0xbf: {  	_ =	sfence.sel $0xFFFF  }
0xc0: {  	[dreg:$0x0] =	wrdreg $0xFFFFFFFF;
	(pc) =	sbr.abs _section_cstart, $3  }
0xc1: {  	[dreg:$0x1] =	wrdreg $0xFFFFFFFF  }
0xc2: {  	_ =	task.clear_ibuf [dreg:s7], $0x2FFFF;
	_ =	strace $0x9FFFFFFF  }
0xc3: {  	(tm) =	ssettm $0x7FFFFFFF  }
tec
execute0_lowered:
.L_overlay_start_1:
0x0: {  	(tag) =	ssettag $0x1  }
0x1: {  	s1 =	rddreg [dreg:$0x0];
	s0 =	srdreg.scid  }
0x2: {  	s9 =	rddreg [dreg:$0x1];
	s24 =	stileid.u32  }
0x3: {  	s3 =	rddreg [dreg:$0x2];
	s4 =	simm.s32 $0x0;
	s5 =	smul.u32 $0x280, s24  }
0x4: {  	s10 =	sand.u32 $0x1, s0;
	s11 =	sadd.s32 $0x13E00, s9;
	s13 =	smul.u32 $0x14000, s24  }
0x5: {  	[smem:$0x7FF] =	sst s4;
	s0 =	ssub.s32 $0x2, s10;
	s12 =	smul.u32 $0x140000, s10  }
0x6: {  	s2 =	sshrl.u32 s0, $0x1;
	s16 =	sor.u32 $0x50, s5;
	s8 =	sadd.s32 $0xA0, s5  }
0x7: {  	s15 =	sadd.s32 $0xF0, s5;
	s7 =	sadd.s32 $0x140, s5;
	s6 =	sadd.s32 $0x190, s5  }
0x8: {  	s20 =	sadd.s32 $0x1E0, s5;
	s26 =	sadd.s32 $0x230, s5;
	s28 =	sadd.s32 $0x100, s5  }
0x9: {  	s29 =	sadd.s32 $0x210, s5;
	s30 =	sadd.s32 $0x220, s5;
	s31 =	sadd.s32 $0x250, s5  }
0xa: {  	s0 =	ssub.s32 s0, s2;
	[dreg:$0x11] =	wrdreg s26;
	s14 =	sshll.u32 s16, $0x7  }
0xb: {  	s13 =	sadd.s32 s13, s12;
	s17 =	sshll.u32 s8, $0x7;
	s18 =	sshll.u32 s15, $0x7  }
0xc: {  	s19 =	sshll.u32 s7, $0x7;
	s21 =	sshll.u32 s6, $0x7;
	s22 =	sshll.u32 s20, $0x7  }
0xd: {  	v39 =	vlaneseq.u32;
	s23 =	sshll.u32 s26, $0x7;
	s2 =	sshll.u32 s10, $0x4;
	s10 =	smul.u32 $0x27100, s10  }
0xe: {  	v9 =	vor.u32 s8, v39;
	s8 =	sadd.s32 $0x180, s5;
	v15 =	vor.u32 s28, v39;
	s28 =	sadd.s32 $0x200, s5;
	v34 =	vor.u32 s30, v39;
	s30 =	simm.s32 $0x1  }
0xf: {  	v33 =	vor.u32 s29, v39;
	v37 =	vor.u32 s31, v39;
	s31 =	simm.s32 $0x4;
	s29 =	simm.s32 $0x0;
	[dreg:$0x10] =	wrdreg s0  }
0x10: {  	s14 =	sadd.s32 s12, s14;
	s17 =	sadd.s32 s12, s17;
	s18 =	sadd.s32 s12, s18  }
0x11: {  	s19 =	sadd.s32 s12, s19;
	s21 =	sadd.s32 s12, s21;
	s22 =	sadd.s32 s12, s22  }
0x12: {  	s12 =	sadd.s32 s12, s23;
	s23 =	sor.u32 s24, s2;
	s13 =	sshrl.u32 s13, $0x3  }
0x13: {  	v32 =	vor.u32 s28, v39;
	s28 =	simm.s32 $0x80;
	s14 =	sshrl.u32 s14, $0x3;
	s13 =	sadd.s32 s11, s13  }
0x14: {  	s25 =	sshrl.u32 s17, $0x3;
	s0 =	sshrl.u32 s18, $0x3;
	s2 =	sshrl.u32 s19, $0x3  }
0x15: {  	s18 =	sshrl.u32 s21, $0x3;
	s21 =	sshrl.u32 s22, $0x3;
	s12 =	sshrl.u32 s12, $0x3  }
0x16: {  	[dreg:$0x4] =	wrdreg s13;
	s14 =	sadd.s32 s11, s14;
	s26 =	sadd.s32 s11, s25  }
0x17: {  	s13 =	sadd.s32 s11, s0;
	s17 =	sadd.s32 s11, s2;
	[dreg:$0x5] =	wrdreg s14  }
0x18: {  	s19 =	sadd.s32 s11, s18;
	s25 =	smul.u32 $0x2710, s24;
	[dreg:$0x6] =	wrdreg s26  }
0x19: {  	s22 =	sadd.s32 s11, s21;
	s2 =	smul.u32 $0x2710, s23;
	[dreg:$0x7] =	wrdreg s13  }
0x1a: {  	s18 =	sor.u32 $0x30, s5;
	s23 =	sor.u32 $0x70, s5;
	[dreg:$0x8] =	wrdreg s17  }
0x1b: {  	s24 =	sadd.s32 $0x90, s5;
	s0 =	sadd.s32 $0x120, s5;
	[dreg:$0x9] =	wrdreg s19  }
0x1c: {  	[dreg:$0xa] =	wrdreg s22;
	s26 =	sadd.s32 s11, s12;
	s13 =	sadd.s32 $0xA000, s9  }
0x1d: {  	s14 =	sadd.s32 $0x200, s9;
	s11 =	sor.u32 $0x10, s5;
	s17 =	sor.u32 $0x20, s5  }
0x1e: {  	s19 =	sor.u32 $0x40, s5;
	s22 =	sor.u32 $0x60, s5;
	s12 =	sadd.s32 $0x80, s5  }
0x1f: {  	v2 =	vor.u32 s18, v39;
	s18 =	sadd.s32 $0x110, s5;
	v6 =	vor.u32 s23, v39;
	s23 =	sadd.s32 $0x170, s5;
	v8 =	vor.u32 s24, v39;
	s24 =	sadd.s32 $0x1A0, s5  }
0x20: {  	v17 =	vor.u32 s0, v39;
	s0 =	sadd.s32 $0x260, s5;
	[dreg:$0xb] =	wrdreg s26;
	s21 =	sadd.s32 s25, s10  }
0x21: {  	s9 =	sshrl.u32 s2, $0x3;
	s25 =	sadd.s32 $0xB0, s5;
	s26 =	sadd.s32 $0xC0, s5  }
0x22: {  	v0 =	vor.u32 s11, v39;
	s10 =	sadd.s32 $0xD0, s5;
	s11 =	sadd.s32 $0xE0, s5;
	s2 =	sadd.s32 $0x130, s5  }
0x23: {  	v5 =	vor.u32 s22, v39;
	v7 =	vor.u32 s12, v39;
	s22 =	sadd.s32 $0x150, s5;
	s12 =	sadd.s32 $0x160, s5;
	v23 =	vor.u32 s23, v39;
	s23 =	simm.s32 $0x200  }
0x24: {  	v40 =	vimm.f32 $0.0e+00;
	v26 =	vor.u32 s24, v39;
	s24 =	simm.s32 $0x100;
	v38 =	vor.u32 s0, v39;
	s0 =	simm.s32 $0x2;
	_ =	strace $0x80000047  }
0x25: {  	v14 =	vor.u32 s15, v39;
	v10 =	vor.u32 s25, v39;
	s25 =	sadd.s32 $0x1B0, s5;
	v12 =	vor.u32 s10, v39;
	s10 =	sadd.s32 $0x1C0, s5;
	s15 =	sadd.s32 s13, s9  }
0x26: {  	v22 =	vor.u32 s5, v39;
	v1 =	vor.u32 s17, v39;
	v13 =	vor.u32 s11, v39;
	s11 =	sadd.s32 $0x1D0, s5;
	s17 =	sadd.s32 s14, s9;
	[dreg:$0xc] =	wrdreg s15  }
0x27: {  	v4 =	vor.u32 s16, v39;
	v11 =	vor.u32 s26, v39;
	s26 =	sadd.s32 $0x1F0, s5;
	v18 =	vor.u32 s2, v39;
	s2 =	sadd.s32 $0x240, s5;
	[dreg:$0xd] =	wrdreg s17  }
0x28: {  	v19 =	vor.u32 s7, v39;
	v3 =	vor.u32 s19, v39;
	v21 =	vor.u32 s12, v39;
	s12 =	sadd.s32 $0x270, s5;
	s16 =	sadd.s32 $0xA, s9;
	s19 =	rddreg [dreg:$0x10]  }
0x29: {  	v30 =	vor.u32 s20, v39;
	v16 =	vor.u32 s18, v39;
	v20 =	vor.u32 s22, v39;
	s22 =	simm.s32 $0x5200;
	s18 =	sadd.s32 s13, s16;
	s20 =	rddreg [dreg:$0x11]  }
0x2a: {  	v25 =	vor.u32 s6, v39;
	v24 =	vor.u32 s8, v39;
	s5 =	sadd.s32 s14, s16;
	v27 =	vor.u32 s25, v39;
	s25 =	simm.s32 $0x3;
	[dreg:$0xe] =	wrdreg s18  }
0x2b: {  	v28 =	vor.u32 s10, v39;
	v31 =	vor.u32 s26, v39;
	s26 =	simm.s32 $0x5;
	v36 =	vor.u32 s2, v39;
	s2 =	simm.s32 $0x2A00;
	[dreg:$0xf] =	wrdreg s5  }
0x2c: {  	v29 =	vor.u32 s11, v39;
	s19 =	smax.u32 s19, $0x1;
	s5 =	sadd.s32 $0xA0, s21;
	s21 =	simm.s32 $0x50;
	v35 =	vor.u32 s20, v39;
	v39 =	vor.u32 s12, v39  }
.LBB2_1:
0x2d: {  	s6 =	simm.s32 $0x0;
	s7 =	simm.s32 $0x200  }
.LBB2_2:
0x2e: {  	p0 =	sne.s32 s7, $0x9E00;
	[tilespmem:s6+$0x270] =	vst v40  }
0x2f: {  	[tilespmem:s6+$0x200] =	vst v40  }
0x30: {  	[tilespmem:s6+$0x210] =	vst v40  }
.Ltmp0:
0x31: {  	[tilespmem:s6+$0x220] =	vst v40;
	(pc) =	sbr.rel @p0 .LBB2_2-.Ltmp0, $4  }
0x32: {  	[tilespmem:s6+$0x230] =	vst v40  }
0x33: {  	[tilespmem:s6+$0x240] =	vst v40  }
0x34: {  	[tilespmem:s6+$0x250] =	vst v40  }
0x35: {  	[tilespmem:s6+$0x260] =	vst v40;
	s6 =	sshra.s32 s7, $0x2;
	s7 =	sadd.s32 $0x200, s7  }
0x36: {  	[tilespmem:s6+$0x270] =	vst v40  }
0x37: {  	[tilespmem:s6+$0x200] =	vst v40  }
0x38: {  	[tilespmem:s6+$0x210] =	vst v40  }
0x39: {  	[tilespmem:s6+$0x220] =	vst v40  }
0x3a: {  	[tilespmem:s6+$0x230] =	vst v40  }
0x3b: {  	[tilespmem:s6+$0x240] =	vst v40  }
0x3c: {  	[tilespmem:s6+$0x250] =	vst v40  }
0x3d: {  	[tilespmem:s6+$0x260] =	vst v40  }
0x3e: {  	[tilespmem:$0x5200] =	vst v22  }
0x3f: {  	[tilespmem:$0x5210] =	vst v0  }
0x40: {  	[tilespmem:$0x5220] =	vst v1  }
0x41: {  	[tilespmem:$0x5230] =	vst v2  }
0x42: {  	[tilespmem:$0x5240] =	vst v3  }
0x43: {  	[spmem:s3] =	stream.indirect.scatter [tilespmem:s23], [sflag:$0x3], $0x80, s22, s21, $0xb8;
	[tilespmem:$0x19280] =	vst v63  }
0x44: {  	[tilespmem:$0x100] =	vst v4  }
0x45: {  	[tilespmem:$0x110] =	vst v5  }
0x46: {  	[tilespmem:$0x120] =	vst v6  }
0x47: {  	[tilespmem:$0x130] =	vst v7  }
0x48: {  	[tilespmem:$0x140] =	vst v8  }
0x49: {  	[spmem:s3] =	stream.indirect.scatter [tilespmem:s23], [sflag:$0x3], $0x80, s24, s21, $0xb8;
	[tilespmem:$0x19280] =	vst v63  }
0x4a: {  	_ =	swait.ge [sflag:s25], $0x2800  }
0x4b: {  	[sflag:s25] =	ssyncset.done $0x0  }
0x4c: {  	[sflag:s25] =	ssyncadd.s32 $0xFFFFD800  }
0x4d: {  	[tilespmem:$0x5200] =	vst v9  }
0x4e: {  	[tilespmem:$0x5210] =	vst v10  }
0x4f: {  	[tilespmem:$0x5220] =	vst v11  }
0x50: {  	[tilespmem:$0x5230] =	vst v12  }
0x51: {  	[tilespmem:$0x5240] =	vst v13  }
0x52: {  	[spmem:s3] =	stream.indirect.scatter [tilespmem:s23], [sflag:$0x3], $0x80, s22, s21, $0xb8;
	[tilespmem:$0x19280] =	vst v63  }
0x53: {  	_ =	swait.ge [sflag:s25], $0x2800  }
0x54: {  	[sflag:s25] =	ssyncset.done $0x0  }
0x55: {  	[sflag:s25] =	ssyncadd.s32 $0xFFFFD800  }
0x56: {  	[tilespmem:$0x100] =	vst v14  }
0x57: {  	[tilespmem:$0x110] =	vst v15  }
0x58: {  	[tilespmem:$0x120] =	vst v16  }
0x59: {  	[tilespmem:$0x130] =	vst v17  }
0x5a: {  	[tilespmem:$0x140] =	vst v18  }
0x5b: {  	[spmem:s3] =	stream.indirect.scatter [tilespmem:s23], [sflag:$0x3], $0x80, s24, s21, $0xb8;
	[tilespmem:$0x19280] =	vst v63  }
0x5c: {  	_ =	swait.ge [sflag:s25], $0x2800  }
0x5d: {  	[sflag:s25] =	ssyncset.done $0x0  }
0x5e: {  	[sflag:s25] =	ssyncadd.s32 $0xFFFFD800  }
0x5f: {  	[tilespmem:$0x5200] =	vst v19  }
0x60: {  	[tilespmem:$0x5210] =	vst v20  }
0x61: {  	[tilespmem:$0x5220] =	vst v21  }
0x62: {  	[tilespmem:$0x5230] =	vst v23  }
0x63: {  	[tilespmem:$0x5240] =	vst v24  }
0x64: {  	[spmem:s3] =	stream.indirect.scatter [tilespmem:s23], [sflag:$0x3], $0x80, s22, s21, $0xb8;
	[tilespmem:$0x19280] =	vst v63  }
0x65: {  	_ =	swait.ge [sflag:s25], $0x2800  }
0x66: {  	[sflag:s25] =	ssyncset.done $0x0  }
0x67: {  	[sflag:s25] =	ssyncadd.s32 $0xFFFFD800  }
0x68: {  	[tilespmem:$0x100] =	vst v25  }
0x69: {  	[tilespmem:$0x110] =	vst v26  }
0x6a: {  	[tilespmem:$0x120] =	vst v27  }
0x6b: {  	[tilespmem:$0x130] =	vst v28  }
0x6c: {  	[tilespmem:$0x140] =	vst v29  }
0x6d: {  	[spmem:s3] =	stream.indirect.scatter [tilespmem:s23], [sflag:$0x3], $0x80, s24, s21, $0xb8;
	[tilespmem:$0x19280] =	vst v63  }
0x6e: {  	_ =	swait.ge [sflag:s25], $0x2800  }
0x6f: {  	[sflag:s25] =	ssyncset.done $0x0  }
0x70: {  	[sflag:s25] =	ssyncadd.s32 $0xFFFFD800  }
0x71: {  	[tilespmem:$0x5200] =	vst v30  }
0x72: {  	[tilespmem:$0x5210] =	vst v31  }
0x73: {  	[tilespmem:$0x5220] =	vst v32  }
0x74: {  	[tilespmem:$0x5230] =	vst v33  }
0x75: {  	[tilespmem:$0x5240] =	vst v34  }
0x76: {  	[spmem:s3] =	stream.indirect.scatter [tilespmem:s23], [sflag:$0x3], $0x80, s22, s21, $0xb8;
	[tilespmem:$0x19280] =	vst v63  }
0x77: {  	_ =	swait.ge [sflag:s25], $0x2800  }
0x78: {  	[sflag:s25] =	ssyncset.done $0x0  }
0x79: {  	[sflag:s25] =	ssyncadd.s32 $0xFFFFD800  }
0x7a: {  	[tilespmem:$0x100] =	vst v35  }
0x7b: {  	[tilespmem:$0x110] =	vst v36  }
0x7c: {  	[tilespmem:$0x120] =	vst v37  }
0x7d: {  	[tilespmem:$0x130] =	vst v38  }
0x7e: {  	[tilespmem:$0x140] =	vst v39  }
0x7f: {  	[spmem:s3] =	stream.indirect.scatter [tilespmem:s23], [sflag:$0x3], $0x80, s24, s21, $0xb8;
	[tilespmem:$0x19280] =	vst v63  }
0x80: {  	_ =	swait.ge [sflag:s25], $0x2800  }
0x81: {  	[sflag:s25] =	ssyncset.done $0x0  }
0x82: {  	[sflag:s25] =	ssyncadd.s32 $0xFFFFD800  }
0x83: {  	_ =	swait.ge [sflag:s25], $0x2800  }
0x84: {  	[sflag:s25] =	ssyncset.done $0x0  }
0x85: {  	[sflag:s25] =	ssyncadd.s32 $0xFFFFD800  }
0x86: {  	[bflag:$0x0] =	sbarrier.arrive $0xFFFF  }
0x87: {  	s15 =	simm.s32 $0x0;
	s7 =	rddreg [dreg:$0xc]  }
0x88: {  	[tilespmem:s15], [sflag:$0x5] =	stream.linear.gather [hbm4b:s7+s15], $0x50, $0x38;
	[tilespmem:$0x19280] =	vst v63  }
0x89: {  	_ =	swait.ge [sflag:s26], $0x50  }
0x8a: {  	[sflag:s26] =	ssyncset.done $0x0  }
0x8b: {  	s16 =	rddreg [dreg:$0xd];
	[sflag:s26] =	ssyncadd.s32 $0xFFFFFFB0  }
0x8c: {  	[tilespmem:s28], [sflag:$0x5] =	stream.linear.gather [hbm4b:s16+s15], $0x50, $0x38;
	[tilespmem:$0x19280] =	vst v63  }
0x8d: {  	_ =	swait.ge [sflag:s26], $0x50  }
0x8e: {  	[sflag:s26] =	ssyncset.done $0x0  }
0x8f: {  	s6 =	sand.u32 $0x1, s15;
	s17 =	rddreg [dreg:$0xe];
	[sflag:s26] =	ssyncadd.s32 $0xFFFFFFB0  }
0x90: {  	[tilespmem:s24], [sflag:$0x4] =	stream.linear.gather [hbm4b:s17+s15], $0x50, $0x38;
	[tilespmem:$0x19280] =	vst v63  }
0x91: {  	s8 =	simm.s32 $0x180;
	p1 =	seq.s32 s6, $0x1;
	s18 =	rddreg [dreg:$0xf]  }
0x92: {  	[tilespmem:s8], [sflag:$0x4] =	stream.linear.gather [hbm4b:s18+s15], $0x50, $0x38;
	[tilespmem:$0x19280] =	vst v63  }
0x93: {  	s6 =	simm.s32 @p1 $0x3  }
0x94: {  	[tilespmem:s23], [sflag:$0x1] =	stream.indirect.gather [hbm4b:s1+s21], $0x80, s15, s21, $0xb8;
	[tilespmem:$0x19280] =	vst v63  }
0x95: {  	_ =	swait.ge @p1 [sflag:s6], $0x50  }
0x96: {  	[sflag:s6] =	ssyncset.done @p1 $0x0  }
0x97: {  	[sflag:s6] =	ssyncadd.s32 @p1 $0xFFFFFFB0  }
0x98: {  	_ =	swait.ge @p1 [sflag:s6], $0x50  }
0x99: {  	s9 =	simm.s32 @p1 $0x0;
	s7 =	simm.s32 @p1 $0x200;
	[sflag:s6] =	ssyncset.done @p1 $0x0  }
0x9a: {  	s8 =	simm.s32 @p1 $0x2;
	[sflag:s6] =	ssyncadd.s32 @p1 $0xFFFFFFB0;
	s6 =	simm.s32 @p1 $0x50  }
0x9b: {  	[tilespmem:s7], [sflag:$0x1] =	stream.indirect.gather @p1 [hbm4b:s1+s6], $0x80, s9, s6, $0xb8;
	[tilespmem:$0x19280] =	vst v63  }
0x9c: {  	s11 =	smov.u32 s5;
	p0 =	slt.s32 @p1 s5, $0x4E1B0;
	_ =	swait.ge @p1 [sflag:s8], $0x2800  }
0x9d: {  	s10 =	simm.s32 @p1 $0x2A00;
	p0 =	por !p0, !p1;
	[sflag:s8] =	ssyncset.done @p1 $0x0  }
0x9e: {  	s7 =	simm.s32 @p1 $0x5;
	[sflag:s8] =	ssyncadd.s32 @p1 $0xFFFFD800;
	s8 =	simm.s32 @p1 $0x180  }
0x9f: {  	[spmem:s3] =	stream.indirect.scatter.add.f32 @p1 [tilespmem:s10], [sflag:$0x5], $0x80, s8, s6, $0xb8;
	[tilespmem:$0x19280] =	vst v63  }
0xa0: {  	s11 =	simm.s32 @p0 $0x4E1B0;
	p0 =	por p1, p1;
	_ =	swait.ge @p1 [sflag:s7], $0x2800  }
0xa1: {  	s6 =	sshrl.u32 @p1 s11, $0x3;
	[sflag:s7] =	ssyncset.done @p0 $0x0  }
0xa2: {  	s10 =	sadd.s32 @p1 s13, s6;
	[sflag:s7] =	ssyncadd.s32 @p0 $0xFFFFD800;
	s7 =	simm.s32 @p0 $0x100  }
0xa3: {  	[tilespmem:s7], [sflag:$0x4] =	stream.linear.gather @p0 [hbm4b:s10+s9], $0x50, $0x38;
	[tilespmem:$0x19280] =	vst v63  }
0xa4: {  	s6 =	sadd.s32 @p1 s14, s6;
	s7 =	simm.s32 @!p0 $0x4  }
0xa5: {  	[tilespmem:s8], [sflag:$0x4] =	stream.linear.gather @p0 [hbm4b:s6+s9], $0x50, $0x38;
	[tilespmem:$0x19280] =	vst v63  }
0xa6: {  	_ =	swait.ge @!p0 [sflag:s7], $0x50  }
0xa7: {  	[sflag:s7] =	ssyncset.done @!p0 $0x0  }
0xa8: {  	[sflag:s7] =	ssyncadd.s32 @!p0 $0xFFFFFFB0  }
0xa9: {  	p2 =	slt.s32 @!p1 s5, $0x4E1B0;
	_ =	swait.ge @!p0 [sflag:s7], $0x50  }
0xaa: {  	s6 =	simm.s32 @!p0 $0x2A00;
	s8 =	simm.s32 @!p0 $0x1;
	[sflag:s7] =	ssyncset.done @!p0 $0x0  }
0xab: {  	s9 =	simm.s32 @!p0 $0x100;
	[sflag:s7] =	ssyncadd.s32 @!p0 $0xFFFFFFB0;
	s7 =	simm.s32 @!p0 $0x50  }
0xac: {  	[tilespmem:s6], [sflag:$0x2] =	stream.indirect.gather @!p0 [hbm4b:s1+s7], $0x80, s9, s7, $0xb8;
	[tilespmem:$0x19280] =	vst v63  }
0xad: {  	p2 =	por !p2, p1;
	_ =	swait.ge @!p0 [sflag:s8], $0x2800  }
0xae: {  	s10 =	simm.s32 @!p0 $0x80;
	s6 =	simm.s32 @!p0 $0x5;
	[sflag:s8] =	ssyncset.done @!p0 $0x0  }
0xaf: {  	s9 =	smov.u32 s5;
	[sflag:s8] =	ssyncadd.s32 @!p0 $0xFFFFD800;
	s8 =	simm.s32 @!p0 $0x200  }
0xb0: {  	[spmem:s3] =	stream.indirect.scatter.add.f32 @!p0 [tilespmem:s8], [sflag:$0x5], $0x80, s10, s7, $0xb8;
	[tilespmem:$0x19280] =	vst v63  }
0xb1: {  	s20 =	simm.s32 $0x1;
	s9 =	simm.s32 @p2 $0x4E1B0;
	_ =	swait.ge @!p0 [sflag:s6], $0x2800  }
0xb2: {  	s11 =	simm.s32 @!p0 $0x0;
	s7 =	sshrl.u32 @!p1 s9, $0x3;
	[sflag:s6] =	ssyncset.done @!p0 $0x0  }
0xb3: {  	s8 =	sadd.s32 @!p1 s13, s7;
	[sflag:s6] =	ssyncadd.s32 @!p0 $0xFFFFD800;
	s6 =	simm.s32 $0x2  }
0xb4: {  	[tilespmem:s11], [sflag:$0x3] =	stream.linear.gather @!p0 [hbm4b:s8+s11], $0x50, $0x38;
	[tilespmem:$0x19280] =	vst v63  }
0xb5: {  	s8 =	sadd.s32 @!p1 s14, s7;
	s7 =	sand.u32 $0x1, s20;
	s20 =	smov.u32 s5  }
.LBB2_4:
0xb6: {  	p2 =	seq.s32 s7, $0x1  }
0xb7: {  	s20 =	sadd.s32 $0x50, s20;
	s7 =	smov.u32 s6;
	s6 =	sadd.s32 $0x1, s6  }
0xb8: {  	p1 =	slt.s32 @p2 s20, $0x4E1B0;
	s9 =	simm.s32 @p2 $0x3;
	p3 =	slt.s32 @!p2 s20, $0x4E1B0  }
0xb9: {  	[tilespmem:s10], [sflag:$0x3] =	stream.linear.gather @!p0 [hbm4b:s8+s11], $0x50, $0x38;
	[tilespmem:$0x19280] =	vst v63  }
0xba: {  	p0 =	por !p1, !p2;
	p1 =	por !p3, p2  }
0xbb: {  	s8 =	smov.u32 s20;
	s10 =	smov.u32 s20;
	_ =	swait.ge @p2 [sflag:s9], $0x50  }
0xbc: {  	s8 =	simm.s32 @p0 $0x4E1B0;
	s10 =	simm.s32 @p1 $0x4E1B0;
	[sflag:s9] =	ssyncset.done @p2 $0x0  }
0xbd: {  	s8 =	sshrl.u32 @p2 s8, $0x3;
	s10 =	sshrl.u32 @!p2 s10, $0x3;
	[sflag:s9] =	ssyncadd.s32 @p2 $0xFFFFFFB0  }
0xbe: {  	s11 =	sadd.s32 @p2 s14, s8;
	s12 =	sadd.s32 @p2 s13, s8;
	_ =	swait.ge @p2 [sflag:s9], $0x50  }
0xbf: {  	s15 =	simm.s32 @p2 $0x2;
	s8 =	simm.s32 @p2 $0x200;
	[sflag:s9] =	ssyncset.done @p2 $0x0  }
0xc0: {  	s16 =	simm.s32 @p2 $0x50;
	s17 =	simm.s32 @p2 $0x0;
	[sflag:s9] =	ssyncadd.s32 @p2 $0xFFFFFFB0  }
0xc1: {  	[tilespmem:s8], [sflag:$0x1] =	stream.indirect.gather @p2 [hbm4b:s1+s16], $0x80, s17, s16, $0xb8;
	[tilespmem:$0x19280] =	vst v63  }
0xc2: {  	s9 =	sadd.s32 @!p2 s13, s10;
	s8 =	sadd.s32 @!p2 s14, s10;
	_ =	swait.ge @p2 [sflag:s15], $0x2800  }
0xc3: {  	p1 =	sne.s32 s6, $0x7C;
	s10 =	simm.s32 @p2 $0x5;
	[sflag:s15] =	ssyncset.done @p2 $0x0  }
0xc4: {  	s18 =	simm.s32 @p2 $0x2A00;
	[sflag:s15] =	ssyncadd.s32 @p2 $0xFFFFD800;
	s15 =	simm.s32 @p2 $0x180  }
0xc5: {  	[spmem:s3] =	stream.indirect.scatter.add.f32 @p2 [tilespmem:s18], [sflag:$0x5], $0x80, s15, s16, $0xb8;
	[tilespmem:$0x19280] =	vst v63  }
0xc6: {  	p0 =	por p2, p2;
	_ =	swait.ge @p2 [sflag:s10], $0x2800  }
0xc7: {  	[sflag:s10] =	ssyncset.done @p0 $0x0  }
0xc8: {  	[sflag:s10] =	ssyncadd.s32 @p0 $0xFFFFD800;
	s10 =	simm.s32 @p0 $0x100  }
0xc9: {  	[tilespmem:s10], [sflag:$0x4] =	stream.linear.gather @p0 [hbm4b:s12+s17], $0x50, $0x38;
	[tilespmem:$0x19280] =	vst v63  }
0xca: {  	s10 =	simm.s32 @!p0 $0x4  }
0xcb: {  	[tilespmem:s15], [sflag:$0x4] =	stream.linear.gather @p0 [hbm4b:s11+s17], $0x50, $0x38;
	[tilespmem:$0x19280] =	vst v63  }
0xcc: {  	_ =	swait.ge @!p0 [sflag:s10], $0x50  }
0xcd: {  	[sflag:s10] =	ssyncset.done @!p0 $0x0  }
0xce: {  	[sflag:s10] =	ssyncadd.s32 @!p0 $0xFFFFFFB0  }
0xcf: {  	_ =	swait.ge @!p0 [sflag:s10], $0x50  }
0xd0: {  	s12 =	simm.s32 @!p0 $0x1;
	s11 =	simm.s32 @!p0 $0x2A00;
	[sflag:s10] =	ssyncset.done @!p0 $0x0  }
0xd1: {  	s15 =	simm.s32 @!p0 $0x50;
	[sflag:s10] =	ssyncadd.s32 @!p0 $0xFFFFFFB0;
	s10 =	simm.s32 @!p0 $0x100  }
0xd2: {  	[tilespmem:s11], [sflag:$0x2] =	stream.indirect.gather @!p0 [hbm4b:s1+s15], $0x80, s10, s15, $0xb8;
	[tilespmem:$0x19280] =	vst v63  }
0xd3: {  	_ =	swait.ge @!p0 [sflag:s12], $0x2800  }
0xd4: {  	s11 =	simm.s32 @!p0 $0x5;
	[sflag:s12] =	ssyncset.done @!p0 $0x0  }
0xd5: {  	s10 =	simm.s32 @!p0 $0x80;
	[sflag:s12] =	ssyncadd.s32 @!p0 $0xFFFFD800;
	s12 =	simm.s32 @!p0 $0x200  }
0xd6: {  	[spmem:s3] =	stream.indirect.scatter.add.f32 @!p0 [tilespmem:s12], [sflag:$0x5], $0x80, s10, s15, $0xb8;
	[tilespmem:$0x19280] =	vst v63  }
.Ltmp1:
0xd7: {  	_ = 	snop;
	(pc) =	sbr.rel @p1 .LBB2_4-.Ltmp1, $4  }
0xd8: {  	_ =	swait.ge @!p0 [sflag:s11], $0x2800  }
0xd9: {  	[sflag:s11] =	ssyncset.done @!p0 $0x0  }
0xda: {  	s7 =	sand.u32 $0x1, s7;
	[sflag:s11] =	ssyncadd.s32 @!p0 $0xFFFFD800;
	s11 =	simm.s32 @!p0 $0x0  }
0xdb: {  	[tilespmem:s11], [sflag:$0x3] =	stream.linear.gather @!p0 [hbm4b:s9+s11], $0x50, $0x38;
	[tilespmem:$0x19280] =	vst v63  }
0xdc: {  	p1 =	seq.s32 s7, $0x1  }
0xdd: {  	[tilespmem:s10], [sflag:$0x3] =	stream.linear.gather @!p0 [hbm4b:s8+s11], $0x50, $0x38;
	[tilespmem:$0x19280] =	vst v63  }
0xde: {  	s6 =	simm.s32 @p1 $0x3  }
0xdf: {  	_ =	swait.ge @p1 [sflag:s6], $0x50  }
0xe0: {  	[sflag:s6] =	ssyncset.done @p1 $0x0  }
0xe1: {  	[sflag:s6] =	ssyncadd.s32 @p1 $0xFFFFFFB0  }
0xe2: {  	_ =	swait.ge @p1 [sflag:s6], $0x50  }
0xe3: {  	s7 =	simm.s32 @p1 $0x200;
	s8 =	simm.s32 @p1 $0x2;
	[sflag:s6] =	ssyncset.done @p1 $0x0  }
0xe4: {  	s9 =	simm.s32 @p1 $0x0;
	[sflag:s6] =	ssyncadd.s32 @p1 $0xFFFFFFB0;
	s6 =	simm.s32 @p1 $0x50  }
0xe5: {  	[tilespmem:s7], [sflag:$0x1] =	stream.indirect.gather @p1 [hbm4b:s1+s6], $0x80, s9, s6, $0xb8;
	[tilespmem:$0x19280] =	vst v63  }
0xe6: {  	_ =	swait.ge @p1 [sflag:s8], $0x2800  }
0xe7: {  	s10 =	simm.s32 @p1 $0x2A00;
	s7 =	sadd.s32 $0x50, s20;
	[sflag:s8] =	ssyncset.done @p1 $0x0  }
0xe8: {  	p0 =	slt.s32 @p1 s7, $0x4E1B0;
	[sflag:s8] =	ssyncadd.s32 @p1 $0xFFFFD800;
	s8 =	simm.s32 @p1 $0x180  }
0xe9: {  	[spmem:s3] =	stream.indirect.scatter.add.f32 @p1 [tilespmem:s10], [sflag:$0x5], $0x80, s8, s6, $0xb8;
	[tilespmem:$0x19280] =	vst v63  }
0xea: {  	p0 =	por !p0, !p1;
	s6 =	smov.u32 s7;
	s10 =	simm.s32 @p1 $0x5  }
0xeb: {  	s6 =	simm.s32 @p0 $0x4E1B0;
	_ =	swait.ge @p1 [sflag:s10], $0x2800;
	p0 =	por p1, p1  }
0xec: {  	s6 =	sshrl.u32 @p1 s6, $0x3;
	[sflag:s10] =	ssyncset.done @p0 $0x0  }
0xed: {  	s11 =	sadd.s32 @p1 s13, s6;
	[sflag:s10] =	ssyncadd.s32 @p0 $0xFFFFD800;
	s10 =	simm.s32 @p0 $0x100  }
0xee: {  	[tilespmem:s10], [sflag:$0x4] =	stream.linear.gather @p0 [hbm4b:s11+s9], $0x50, $0x38;
	[tilespmem:$0x19280] =	vst v63  }
0xef: {  	s6 =	sadd.s32 @p1 s14, s6  }
0xf0: {  	[tilespmem:s8], [sflag:$0x4] =	stream.linear.gather @p0 [hbm4b:s6+s9], $0x50, $0x38;
	[tilespmem:$0x19280] =	vst v63  }
0xf1: {  	s6 =	simm.s32 @!p0 $0x4  }
0xf2: {  	_ =	swait.ge @!p0 [sflag:s6], $0x50  }
0xf3: {  	[sflag:s6] =	ssyncset.done @!p0 $0x0  }
0xf4: {  	[sflag:s6] =	ssyncadd.s32 @!p0 $0xFFFFFFB0  }
0xf5: {  	_ =	swait.ge @!p0 [sflag:s6], $0x50  }
0xf6: {  	s8 =	simm.s32 @!p0 $0x2A00;
	[sflag:s6] =	ssyncset.done @!p0 $0x0  }
0xf7: {  	s9 =	simm.s32 @!p0 $0x100;
	[sflag:s6] =	ssyncadd.s32 @!p0 $0xFFFFFFB0;
	s6 =	simm.s32 @!p0 $0x50  }
0xf8: {  	[tilespmem:s8], [sflag:$0x2] =	stream.indirect.gather @!p0 [hbm4b:s1+s6], $0x80, s9, s6, $0xb8;
	[tilespmem:$0x19280] =	vst v63  }
0xf9: {  	s8 =	simm.s32 @!p0 $0x1  }
0xfa: {  	_ =	swait.ge @!p0 [sflag:s8], $0x2800  }
0xfb: {  	p2 =	slt.s32 @!p1 s7, $0x4E1B0;
	[sflag:s8] =	ssyncset.done @!p0 $0x0  }
0xfc: {  	s9 =	simm.s32 @!p0 $0x200;
	[sflag:s8] =	ssyncadd.s32 @!p0 $0xFFFFD800;
	s8 =	simm.s32 @!p0 $0x80  }
0xfd: {  	[spmem:s3] =	stream.indirect.scatter.add.f32 @!p0 [tilespmem:s9], [sflag:$0x5], $0x80, s8, s6, $0xb8;
	[tilespmem:$0x19280] =	vst v63  }
0xfe: {  	p2 =	por !p2, p1;
	s6 =	simm.s32 @!p0 $0x5  }
0xff: {  	s7 =	simm.s32 @p2 $0x4E1B0;
	_ =	swait.ge @!p0 [sflag:s6], $0x2800  }
0x100: {  	s7 =	sshrl.u32 @!p1 s7, $0x3;
	[sflag:s6] =	ssyncset.done @!p0 $0x0  }
0x101: {  	s9 =	sadd.s32 @!p1 s13, s7;
	[sflag:s6] =	ssyncadd.s32 @!p0 $0xFFFFD800;
	s6 =	simm.s32 @!p0 $0x0  }
0x102: {  	[tilespmem:s6], [sflag:$0x3] =	stream.linear.gather @!p0 [hbm4b:s9+s6], $0x50, $0x38;
	[tilespmem:$0x19280] =	vst v63  }
0x103: {  	s7 =	sadd.s32 @!p1 s14, s7  }
0x104: {  	[tilespmem:s8], [sflag:$0x3] =	stream.linear.gather @!p0 [hbm4b:s7+s6], $0x50, $0x38;
	[tilespmem:$0x19280] =	vst v63  }
0x105: {  	_ =	swait.ge [sflag:s30], $0x2800  }
0x106: {  	[sflag:s30] =	ssyncset.done $0x0  }
0x107: {  	[sflag:s30] =	ssyncadd.s32 $0xFFFFD800  }
0x108: {  	[spmem:s3] =	stream.indirect.scatter.add.f32 [tilespmem:s23], [sflag:$0x5], $0x80, s28, s21, $0xb8;
	[tilespmem:$0x19280] =	vst v63  }
0x109: {  	_ =	swait.ge [sflag:s26], $0x2800  }
0x10a: {  	[sflag:s26] =	ssyncset.done $0x0  }
0x10b: {  	[sflag:s26] =	ssyncadd.s32 $0xFFFFD800  }
0x10c: {  	_ =	swait.ge [sflag:s31], $0x50  }
0x10d: {  	[sflag:s31] =	ssyncset.done $0x0  }
0x10e: {  	[sflag:s31] =	ssyncadd.s32 $0xFFFFFFB0  }
0x10f: {  	_ =	swait.ge [sflag:s31], $0x50  }
0x110: {  	[sflag:s31] =	ssyncset.done $0x0  }
0x111: {  	[sflag:s31] =	ssyncadd.s32 $0xFFFFFFB0  }
0x112: {  	[bflag:$0x0] =	sbarrier.arrive $0xFFFF  }
0x113: {  	[tilespmem:$0x5200] =	vst v22  }
0x114: {  	[tilespmem:$0x5210] =	vst v0  }
0x115: {  	[tilespmem:$0x5220] =	vst v1  }
0x116: {  	[tilespmem:$0x5230] =	vst v2  }
0x117: {  	[tilespmem:$0x5240] =	vst v3  }
0x118: {  	[tilespmem:s23], [sflag:$0x1] =	stream.indirect.gather [spmem:s3], $0x80, s22, s21, $0xb8;
	[tilespmem:$0x19280] =	vst v63  }
0x119: {  	[tilespmem:$0x100] =	vst v4  }
0x11a: {  	[tilespmem:$0x110] =	vst v5  }
0x11b: {  	[tilespmem:$0x120] =	vst v6  }
0x11c: {  	[tilespmem:$0x130] =	vst v7  }
0x11d: {  	[tilespmem:$0x140] =	vst v8  }
0x11e: {  	[tilespmem:s2], [sflag:$0x2] =	stream.indirect.gather [spmem:s3], $0x80, s24, s21, $0xb8;
	[tilespmem:$0x19280] =	vst v63  }
0x11f: {  	_ =	swait.ge [sflag:s30], $0x2800  }
0x120: {  	[sflag:s30] =	ssyncset.done $0x0  }
0x121: {  	s10 =	rddreg [dreg:$0x4];
	[sflag:s30] =	ssyncadd.s32 $0xFFFFD800  }
0x122: {  	[hbm4b:s10+s4] =	stream.linear.scatter [tilespmem:s23], [sflag:$0x3], $0x2800, $0x38;
	[tilespmem:$0x19280] =	vst v63  }
0x123: {  	_ =	swait.ge [sflag:s25], $0x2800  }
0x124: {  	[sflag:s25] =	ssyncset.done $0x0  }
0x125: {  	[sflag:s25] =	ssyncadd.s32 $0xFFFFD800  }
0x126: {  	[tilespmem:$0x5200] =	vst v9  }
0x127: {  	[tilespmem:$0x5210] =	vst v10  }
0x128: {  	[tilespmem:$0x5220] =	vst v11  }
0x129: {  	[tilespmem:$0x5230] =	vst v12  }
0x12a: {  	[tilespmem:$0x5240] =	vst v13  }
0x12b: {  	[tilespmem:s23], [sflag:$0x1] =	stream.indirect.gather [spmem:s3], $0x80, s22, s21, $0xb8;
	[tilespmem:$0x19280] =	vst v63  }
0x12c: {  	_ =	swait.ge [sflag:s0], $0x2800  }
0x12d: {  	[sflag:s0] =	ssyncset.done $0x0  }
0x12e: {  	s11 =	rddreg [dreg:$0x5];
	[sflag:s0] =	ssyncadd.s32 $0xFFFFD800  }
0x12f: {  	[hbm4b:s11+s4] =	stream.linear.scatter [tilespmem:s2], [sflag:$0x4], $0x2800, $0x38;
	[tilespmem:$0x19280] =	vst v63  }
0x130: {  	_ =	swait.ge [sflag:s31], $0x2800  }
0x131: {  	[sflag:s31] =	ssyncset.done $0x0  }
0x132: {  	[sflag:s31] =	ssyncadd.s32 $0xFFFFD800  }
0x133: {  	[tilespmem:$0x100] =	vst v14  }
0x134: {  	[tilespmem:$0x110] =	vst v15  }
0x135: {  	[tilespmem:$0x120] =	vst v16  }
0x136: {  	[tilespmem:$0x130] =	vst v17  }
0x137: {  	[tilespmem:$0x140] =	vst v18  }
0x138: {  	[tilespmem:s2], [sflag:$0x2] =	stream.indirect.gather [spmem:s3], $0x80, s24, s21, $0xb8;
	[tilespmem:$0x19280] =	vst v63  }
0x139: {  	_ =	swait.ge [sflag:s30], $0x2800  }
0x13a: {  	[sflag:s30] =	ssyncset.done $0x0  }
0x13b: {  	s12 =	rddreg [dreg:$0x6];
	[sflag:s30] =	ssyncadd.s32 $0xFFFFD800  }
0x13c: {  	[hbm4b:s12+s4] =	stream.linear.scatter [tilespmem:s23], [sflag:$0x3], $0x2800, $0x38;
	[tilespmem:$0x19280] =	vst v63  }
0x13d: {  	_ =	swait.ge [sflag:s25], $0x2800  }
0x13e: {  	[sflag:s25] =	ssyncset.done $0x0  }
0x13f: {  	[sflag:s25] =	ssyncadd.s32 $0xFFFFD800  }
0x140: {  	[tilespmem:$0x5200] =	vst v19  }
0x141: {  	[tilespmem:$0x5210] =	vst v20  }
0x142: {  	[tilespmem:$0x5220] =	vst v21  }
0x143: {  	[tilespmem:$0x5230] =	vst v23  }
0x144: {  	[tilespmem:$0x5240] =	vst v24  }
0x145: {  	[tilespmem:s23], [sflag:$0x1] =	stream.indirect.gather [spmem:s3], $0x80, s22, s21, $0xb8;
	[tilespmem:$0x19280] =	vst v63  }
0x146: {  	_ =	swait.ge [sflag:s0], $0x2800  }
0x147: {  	[sflag:s0] =	ssyncset.done $0x0  }
0x148: {  	s15 =	rddreg [dreg:$0x7];
	[sflag:s0] =	ssyncadd.s32 $0xFFFFD800  }
0x149: {  	[hbm4b:s15+s4] =	stream.linear.scatter [tilespmem:s2], [sflag:$0x4], $0x2800, $0x38;
	[tilespmem:$0x19280] =	vst v63  }
0x14a: {  	_ =	swait.ge [sflag:s31], $0x2800  }
0x14b: {  	[sflag:s31] =	ssyncset.done $0x0  }
0x14c: {  	[sflag:s31] =	ssyncadd.s32 $0xFFFFD800  }
0x14d: {  	[tilespmem:$0x100] =	vst v25  }
0x14e: {  	[tilespmem:$0x110] =	vst v26  }
0x14f: {  	[tilespmem:$0x120] =	vst v27  }
0x150: {  	[tilespmem:$0x130] =	vst v28  }
0x151: {  	[tilespmem:$0x140] =	vst v29  }
0x152: {  	[tilespmem:s2], [sflag:$0x2] =	stream.indirect.gather [spmem:s3], $0x80, s24, s21, $0xb8;
	[tilespmem:$0x19280] =	vst v63  }
0x153: {  	_ =	swait.ge [sflag:s30], $0x2800  }
0x154: {  	[sflag:s30] =	ssyncset.done $0x0  }
0x155: {  	s16 =	rddreg [dreg:$0x8];
	[sflag:s30] =	ssyncadd.s32 $0xFFFFD800  }
0x156: {  	[hbm4b:s16+s4] =	stream.linear.scatter [tilespmem:s23], [sflag:$0x3], $0x2800, $0x38;
	[tilespmem:$0x19280] =	vst v63  }
0x157: {  	_ =	swait.ge [sflag:s25], $0x2800  }
0x158: {  	[sflag:s25] =	ssyncset.done $0x0  }
0x159: {  	[sflag:s25] =	ssyncadd.s32 $0xFFFFD800  }
0x15a: {  	[tilespmem:$0x5200] =	vst v30  }
0x15b: {  	[tilespmem:$0x5210] =	vst v31  }
0x15c: {  	[tilespmem:$0x5220] =	vst v32  }
0x15d: {  	[tilespmem:$0x5230] =	vst v33  }
0x15e: {  	[tilespmem:$0x5240] =	vst v34  }
0x15f: {  	[tilespmem:s23], [sflag:$0x1] =	stream.indirect.gather [spmem:s3], $0x80, s22, s21, $0xb8;
	[tilespmem:$0x19280] =	vst v63  }
0x160: {  	_ =	swait.ge [sflag:s0], $0x2800  }
0x161: {  	[sflag:s0] =	ssyncset.done $0x0  }
0x162: {  	s17 =	rddreg [dreg:$0x9];
	[sflag:s0] =	ssyncadd.s32 $0xFFFFD800  }
0x163: {  	[hbm4b:s17+s4] =	stream.linear.scatter [tilespmem:s2], [sflag:$0x4], $0x2800, $0x38;
	[tilespmem:$0x19280] =	vst v63  }
0x164: {  	_ =	swait.ge [sflag:s31], $0x2800  }
0x165: {  	[sflag:s31] =	ssyncset.done $0x0  }
0x166: {  	[sflag:s31] =	ssyncadd.s32 $0xFFFFD800  }
0x167: {  	[tilespmem:$0x100] =	vst v35  }
0x168: {  	[tilespmem:$0x110] =	vst v36  }
0x169: {  	[tilespmem:$0x120] =	vst v37  }
0x16a: {  	[tilespmem:$0x130] =	vst v38  }
0x16b: {  	[tilespmem:$0x140] =	vst v39  }
0x16c: {  	[tilespmem:s2], [sflag:$0x2] =	stream.indirect.gather [spmem:s3], $0x80, s24, s21, $0xb8;
	[tilespmem:$0x19280] =	vst v63  }
0x16d: {  	_ =	swait.ge [sflag:s30], $0x2800  }
0x16e: {  	[sflag:s30] =	ssyncset.done $0x0  }
0x16f: {  	s18 =	rddreg [dreg:$0xa];
	[sflag:s30] =	ssyncadd.s32 $0xFFFFD800  }
0x170: {  	[hbm4b:s18+s4] =	stream.linear.scatter [tilespmem:s23], [sflag:$0x3], $0x2800, $0x38;
	[tilespmem:$0x19280] =	vst v63  }
0x171: {  	_ =	swait.ge [sflag:s0], $0x2800  }
0x172: {  	[sflag:s0] =	ssyncset.done $0x0  }
0x173: {  	s29 =	sadd.s32 $0x1, s29;
	s20 =	rddreg [dreg:$0xb];
	[sflag:s0] =	ssyncadd.s32 $0xFFFFD800  }
0x174: {  	[hbm4b:s20+s4] =	stream.linear.scatter [tilespmem:s2], [sflag:$0x4], $0x2800, $0x38;
	[tilespmem:$0x19280] =	vst v63  }
0x175: {  	p0 =	sne.s32 s29, s19;
	_ =	swait.ge [sflag:s25], $0x2800  }
.Ltmp2:
0x176: {  	[sflag:s25] =	ssyncset.done $0x0;
	(pc) =	sbr.rel @p0 .LBB2_1-.Ltmp2, $4  }
0x177: {  	[sflag:s25] =	ssyncadd.s32 $0xFFFFD800  }
0x178: {  	_ =	swait.ge [sflag:s31], $0x2800  }
0x179: {  	[sflag:s31] =	ssyncset.done $0x0  }
0x17a: {  	[sflag:s31] =	ssyncadd.s32 $0xFFFFD800  }
0x17b: {  	_ =	sfence.sel $0x180000  }
0x17c: {  	[bflag:$0x0] =	sbarrier.arrive $0xFFFF  }
0x17d: {  	_ =	strace $0x90000047  }
0x17e: {  	s0 =	stileid.u32;
	[bflag:$0x2] =	sbarrier.arrive $0xFFFF  }
0x17f: {  	p0 =	sne.s32 s0, $0x0;
	s0 =	rddreg [dreg:$0x3]  }
0x180: {  	s0 =	sadd.s32 @!p0 $0x100000, s0  }
0x181: {  	[sflag:s0] =	ssyncadd.tile.s32 @!p0 $0x1;
	_ =	shalt  }
.Lfunc_end2:
_tile_overlayer_lowered:
.L_overlay_start_2:
0x182: {  	(tag) =	ssettag $0x2  }
0x183: {  	s0 =	rddreg [dreg:$0x0];
	s2 =	stileid.u32  }
0x184: {  	s1 =	rddreg [dreg:$0x1];
	p0 =	sne.s32 s2, $0x0  }
0x185: {  	s3 =	rddreg [dreg:$0x2];
	[bflag:$0x3] =	sbarrier.arrive $0xFFFF;
	s2 =	simm.s32 @!p0 $0x1C05  }
0x186: {  	[timem:s3], [sflag:s2] =	dma.local @!p0 [hbm:s0], s1  }
0x187: {  	s0 =	simm.s32 @!p0 $0x5  }
0x188: {  	_ =	swait.ge @!p0 [sflag:s0], s1  }
0x189: {  	s1 =	ssub.s32 @!p0 $0x0, s1;
	[sflag:s0] =	ssyncset.done @!p0 $0x0  }
0x18a: {  	[sflag:s0] =	ssyncadd.s32 @!p0 s1  }
0x18b: {  	[bflag:$0x3] =	sbarrier.arrive $0xFFFF  }
0x18c: {  	_ =	shalt  }

</sc_bundles>
